<compile_context>
chip_gen: v7x
topology: tpu7x:2x2x1
jax: 0.10.2.dev20260603
libtpu: 0.0.44.dev20260713+nightly
codegen_flags: <defaults>
</compile_context>

<pallas_src>
import jax
import jax.numpy as jnp
from jax import lax
from jax.experimental import pallas as pl
from jax.experimental.pallas import tpu as pltpu
from jax.experimental.pallas import tpu_sc as plsc

_N = 10000
_E = 320000
_D = 128
_H = 8
_DH = 16
_DFF = 512
_CLAMP = 5.0

_HH = _H // 2
_HD = _HH * _DH
_CW = _HD + 8

_NP = 10112
_EPT = _E // 16
_C = 125
_NCHUNK = _EPT // _C
_NPAIR = _NCHUNK // 2
_RPT = _NP // 16

_BLK = 1000
_GRID = _N // _BLK

_DN_T = (((1,), (1,)), ((), ()))
_F32 = jnp.float32


def _perm_mat(n):
    r = lax.broadcasted_iota(jnp.int32, (n, n), 0)
    d = lax.broadcasted_iota(jnp.int32, (n, n), 1)
    src = (d // 32) * 32 + (d % 2) * _DH + (d % 32) // 2
    return (r == src).astype(_F32)


def _proj_body(feat_ref, wq_ref, wk_ref, wv_ref,
               q0_ref, q1_ref, kv0_ref, kv1_ref):
    x = feat_ref[...]
    qn = lax.dot_general(x, wq_ref[...], _DN_T, preferred_element_type=_F32)
    kn = lax.dot_general(x, wk_ref[...], _DN_T, preferred_element_type=_F32)
    vn = lax.dot_general(x, wv_ref[...], _DN_T, preferred_element_type=_F32)
    dn = (((1,), (0,)), ((), ()))
    p = _perm_mat(_HD)
    bf = jnp.bfloat16
    q0_ref[...] = lax.dot_general(qn[:, :_HD], p, dn,
                                  preferred_element_type=_F32).astype(bf)
    q1_ref[...] = lax.dot_general(qn[:, _HD:], p, dn,
                                  preferred_element_type=_F32).astype(bf)
    kv0_ref[...] = jnp.concatenate(
        [lax.dot_general(kn[:, :_HD], p, dn,
                         preferred_element_type=_F32).astype(bf),
         lax.dot_general(vn[:, :_HD], p, dn,
                         preferred_element_type=_F32).astype(bf)], axis=1)
    kv1_ref[...] = jnp.concatenate(
        [lax.dot_general(kn[:, _HD:], p, dn,
                         preferred_element_type=_F32).astype(bf),
         lax.dot_general(vn[:, _HD:], p, dn,
                         preferred_element_type=_F32).astype(bf)], axis=1)


def _proj(feat, Wq, Wk, Wv):
    return pl.pallas_call(
        _proj_body,
        grid=(_GRID,),
        in_specs=[
            pl.BlockSpec((_BLK, _D), lambda i: (i, 0)),
            pl.BlockSpec((_D, _D), lambda i: (0, 0)),
            pl.BlockSpec((_D, _D), lambda i: (0, 0)),
            pl.BlockSpec((_D, _D), lambda i: (0, 0)),
        ],
        out_specs=[
            pl.BlockSpec((_BLK, _HD), lambda i: (i, 0)),
            pl.BlockSpec((_BLK, _HD), lambda i: (i, 0)),
            pl.BlockSpec((_BLK, _D), lambda i: (i, 0)),
            pl.BlockSpec((_BLK, _D), lambda i: (i, 0)),
        ],
        out_shape=[
            jax.ShapeDtypeStruct((_N, _HD), jnp.bfloat16),
            jax.ShapeDtypeStruct((_N, _HD), jnp.bfloat16),
            jax.ShapeDtypeStruct((_N, _D), jnp.bfloat16),
            jax.ShapeDtypeStruct((_N, _D), jnp.bfloat16),
        ],
    )(feat, Wq, Wk, Wv)


def _sc_body(src3_hbm, dst3_hbm, q0_hbm, q1_hbm, kv0_hbm, kv1_hbm, z_hbm,
             out_hbm,
             sidx3, didx3, qbuf_a, kvbuf_a, comb_a, qbuf_b, kvbuf_b, comb_b,
             acc, sem_qa, sem_kva, sem_qb, sem_kvb, sem_sa, sem_sb):
    c = lax.axis_index("c")
    s = lax.axis_index("s")

    r0 = s * _RPT
    pltpu.sync_copy(z_hbm.at[pl.ds(r0, _RPT)], acc.at[pl.ds(r0, _RPT)])

    cb = s * _NCHUNK
    pltpu.sync_copy(src3_hbm.at[pl.ds(cb, _NCHUNK)], sidx3)
    pltpu.sync_copy(dst3_hbm.at[pl.ds(cb, _NCHUNK)], didx3)

    plsc.subcore_barrier()

    lanes = lax.iota(jnp.int32, 16)

    def _gather(ci, qbuf, kvbuf, sq, skv):
        @pl.when(c == 0)
        def _():
            pltpu.async_copy(q0_hbm.at[didx3.at[ci, 0]], qbuf, sq)
            pltpu.async_copy(kv0_hbm.at[sidx3.at[ci, 0]], kvbuf, skv)

        @pl.when(c == 1)
        def _():
            pltpu.async_copy(q1_hbm.at[didx3.at[ci, 0]], qbuf, sq)
            pltpu.async_copy(kv1_hbm.at[sidx3.at[ci, 0]], kvbuf, skv)

    def _wait_gather(qbuf, kvbuf, sq, skv):
        pltpu.make_async_copy(q0_hbm.at[pl.ds(0, _C)], qbuf, sq).wait()
        pltpu.make_async_copy(kv0_hbm.at[pl.ds(0, _C)], kvbuf, skv).wait()

    def _scat(ci, comb, ss):
        pltpu.async_copy(comb, acc.at[didx3.at[ci, 0]], ss, add=True)

    def _wait_scat(comb, ss):
        pltpu.make_async_copy(z_hbm.at[pl.ds(0, _C)], comb, ss).wait()

    perm8 = lanes ^ 8
    perm4 = lanes ^ 4
    perm2 = lanes ^ 2
    perm1 = lanes ^ 1
    lane_grp = lanes // 4
    bcast_idx = [jnp.full((16,), 4 * h, jnp.int32) for h in range(_HH)]

    def _perm(x, pidx):
        return x.at[pidx].get(mode="promise_in_bounds")

    def _compute(qbuf, kvbuf, comb):
        @plsc.parallel_loop(0, _C, unroll=1)
        def _edge(e):
            parts = []
            vs = []
            for hp in range(_HH // 2):
                qp = plsc.unpack(qbuf[e, pl.ds(hp * 32, 32)],
                                 format=plsc.PackFormat.INTERLEAVED)
                kp = plsc.unpack(kvbuf[e, pl.ds(hp * 32, 32)],
                                 format=plsc.PackFormat.INTERLEAVED)
                vp = plsc.unpack(kvbuf[e, pl.ds(_HD + hp * 32, 32)],
                                 format=plsc.PackFormat.INTERLEAVED)
                vs += [vp[0], vp[1]]
                for j in range(2):
                    p = qp[j] * kp[j]
                    p = p + _perm(p, perm8)
                    p = p + _perm(p, perm4)
                    parts.append(p)
            m = parts[0]
            for h in range(1, _HH):
                m = jnp.where(lane_grp == h, parts[h], m)
            m = m + _perm(m, perm2)
            m = m + _perm(m, perm1)
            u4 = jnp.clip(m * 0.25, -_CLAMP, _CLAMP)
            w4 = jnp.exp(u4)
            for h in range(_HH):
                w = _perm(w4, bcast_idx[h])
                comb[e, pl.ds(h * _DH, _DH)] = w * vs[h]
            wsel = jnp.where(lanes < _HH, _perm(w4, (lanes % 4) * 4), 0.0)
            plsc.store_scatter(comb,
                               [jnp.full((16,), e, jnp.int32), _HD + lanes],
                               wsel, mask=lanes < 8)

    _gather(0, qbuf_a, kvbuf_a, sem_qa, sem_kva)

    def _pair(i, carry):
        ca = 2 * i
        _gather(ca + 1, qbuf_b, kvbuf_b, sem_qb, sem_kvb)

        @pl.when(i > 0)
        def _():
            _wait_scat(comb_a, sem_sa)

        _wait_gather(qbuf_a, kvbuf_a, sem_qa, sem_kva)
        _compute(qbuf_a, kvbuf_a, comb_a)
        _scat(ca, comb_a, sem_sa)

        @pl.when(i < _NPAIR - 1)
        def _():
            _gather(ca + 2, qbuf_a, kvbuf_a, sem_qa, sem_kva)

        @pl.when(i > 0)
        def _():
            _wait_scat(comb_b, sem_sb)

        _wait_gather(qbuf_b, kvbuf_b, sem_qb, sem_kvb)
        _compute(qbuf_b, kvbuf_b, comb_b)
        _scat(ca + 1, comb_b, sem_sb)
        return carry

    lax.fori_loop(0, _NPAIR, _pair, 0)

    _wait_scat(comb_a, sem_sa)
    _wait_scat(comb_b, sem_sb)

    plsc.subcore_barrier()
    pltpu.sync_copy(acc.at[pl.ds(r0, _RPT)], out_hbm.at[c, pl.ds(r0, _RPT)])


def _sc_edge(src3, dst3, q0, q1, kv0, kv1, z):
    mesh = plsc.VectorSubcoreMesh(core_axis_name="c", subcore_axis_name="s")
    return pl.kernel(
        _sc_body,
        mesh=mesh,
        compiler_params=pltpu.CompilerParams(needs_layout_passes=False,
                                             use_tc_tiling_on_sc=False),
        out_type=[
            jax.ShapeDtypeStruct((2, _NP, _CW), _F32),
        ],
        scratch_types=[
            pltpu.VMEM((_NCHUNK, 1, _C), jnp.int32),
            pltpu.VMEM((_NCHUNK, 1, _C), jnp.int32),
            pltpu.VMEM((_C, _HD), jnp.bfloat16),
            pltpu.VMEM((_C, _D), jnp.bfloat16),
            pltpu.VMEM((_C, _CW), _F32),
            pltpu.VMEM((_C, _HD), jnp.bfloat16),
            pltpu.VMEM((_C, _D), jnp.bfloat16),
            pltpu.VMEM((_C, _CW), _F32),
            pltpu.VMEM_SHARED((_NP, _CW), _F32),
            pltpu.SemaphoreType.DMA,
            pltpu.SemaphoreType.DMA,
            pltpu.SemaphoreType.DMA,
            pltpu.SemaphoreType.DMA,
            pltpu.SemaphoreType.DMA,
            pltpu.SemaphoreType.DMA,
        ],
    )(src3, dst3, q0, q1, kv0, kv1, z)


def _epi_body(a_ref, feat_ref, wo_ref, g1_ref, bt1_ref, w1_ref,
              bb1_ref, w2_ref, bb2_ref, g2_ref, bt2_ref, out_ref):
    a0 = a_ref[0]
    a1 = a_ref[1]
    num = jnp.concatenate([a0[:, :_HD], a1[:, :_HD]], axis=1)
    den = jnp.concatenate([a0[:, _HD:_HD + _HH],
                           a1[:, _HD:_HD + _HH]], axis=1)
    r = lax.broadcasted_iota(jnp.int32, (_H, _D), 0)
    cc = lax.broadcasted_iota(jnp.int32, (_H, _D), 1)
    sel = (cc // _DH == r).astype(_F32)
    den_e = lax.dot_general(den, sel, (((1,), (0,)), ((), ())),
                            preferred_element_type=_F32)
    den_e = jnp.where(den_e == 0.0, 1.0, den_e)
    agg = num / den_e
    uh = lax.dot_general(agg, wo_ref[...], _DN_T, preferred_element_type=_F32)
    x1 = feat_ref[...] + uh
    mu = jnp.mean(x1, axis=-1, keepdims=True)
    var = jnp.mean((x1 - mu) ** 2, axis=-1, keepdims=True)
    h1 = (x1 - mu) / jnp.sqrt(var + 1e-5) * g1_ref[...] + bt1_ref[...]
    t = jnp.maximum(
        lax.dot_general(h1, w1_ref[...], _DN_T, preferred_element_type=_F32)
        + bb1_ref[...], 0.0)
    f = lax.dot_general(t, w2_ref[...], _DN_T,
                        preferred_element_type=_F32) + bb2_ref[...]
    x2 = h1 + f
    mu2 = jnp.mean(x2, axis=-1, keepdims=True)
    var2 = jnp.mean((x2 - mu2) ** 2, axis=-1, keepdims=True)
    out_ref[...] = (x2 - mu2) / jnp.sqrt(var2 + 1e-5) * g2_ref[...] \
        + bt2_ref[...]


def _epi(a, feat, Wo, ln1_g, ln1_b, W1, b1, W2, b2, ln2_g, ln2_b):
    full = lambda shape: pl.BlockSpec(shape, lambda i: tuple(0 for _ in shape))
    return pl.pallas_call(
        _epi_body,
        grid=(_GRID,),
        in_specs=[
            pl.BlockSpec((2, _BLK, _CW), lambda i: (0, i, 0)),
            pl.BlockSpec((_BLK, _D), lambda i: (i, 0)),
            full((_D, _D)),
            full((_D,)),
            full((_D,)),
            full((_DFF, _D)),
            full((_DFF,)),
            full((_D, _DFF)),
            full((_D,)),
            full((_D,)),
            full((_D,)),
        ],
        out_specs=pl.BlockSpec((_BLK, _D), lambda i: (i, 0)),
        out_shape=jax.ShapeDtypeStruct((_N, _D), _F32),
    )(a, feat, Wo, ln1_g, ln1_b, W1, b1, W2, b2, ln2_g, ln2_b)


def kernel(feat, edge_index, Wq, Wk, Wv, Wo, ln1_g, ln1_b, W1, b1, W2, b2,
           ln2_g, ln2_b):
    src3 = edge_index[0].reshape(_E // _C, 1, _C)
    dst3 = edge_index[1].reshape(_E // _C, 1, _C)
    q0, q1, kv0, kv1 = _proj(feat, Wq, Wk, Wv)
    z = jnp.zeros((_NP, _CW), _F32)
    (acc,) = _sc_edge(src3, dst3, q0, q1, kv0, kv1, z)
    out = _epi(acc, feat, Wo, ln1_g, ln1_b,
               W1, b1, W2, b2, ln2_g, ln2_b)
    return out

# --- scband reference (transcript-rebuilt; emitter-appended) ---
"""Pipeline reference for scband-multi-head-attention-60584808677786 (READ-ONLY COPY).

The authoritative reference and input builder live on the scoring server;
editing this copy changes nothing except your own understanding.
"""

import jax, jax.numpy as jnp
import numpy as np

N = 10000
E = 320000
D = 128
H = 8
DH = 16
DFF = 512
CLAMP = 5.0


def layer_norm(x, g, b):
    mu = jnp.mean(x, axis=-1, keepdims=True)
    var = jnp.mean((x - mu) ** 2, axis=-1, keepdims=True)
    return (x - mu) / jnp.sqrt(var + 1e-5) * g + b


def setup_inputs(seed: int = 0) -> dict:
    key = jax.random.key(seed)
    ks = jax.random.split(key, 16)
    feat = jax.random.normal(ks[0], (N, D), dtype=jnp.float32)
    edge_index = jax.random.randint(ks[1], (2, E), 0, N, dtype=jnp.int32)
    s = 0.05
    Wq = jax.random.normal(ks[2], (H * DH, D), dtype=jnp.float32) * s
    Wk = jax.random.normal(ks[3], (H * DH, D), dtype=jnp.float32) * s
    Wv = jax.random.normal(ks[4], (H * DH, D), dtype=jnp.float32) * s
    Wo = jax.random.normal(ks[5], (D, H * DH), dtype=jnp.float32) * s
    ln1_g = jnp.ones((D,), jnp.float32)
    ln1_b = jnp.zeros((D,), jnp.float32)
    W1 = jax.random.normal(ks[6], (DFF, D), dtype=jnp.float32) * s
    b1 = jnp.zeros((DFF,), jnp.float32)
    W2 = jax.random.normal(ks[7], (D, DFF), dtype=jnp.float32) * s
    b2 = jnp.zeros((D,), jnp.float32)
    ln2_g = jnp.ones((D,), jnp.float32)
    ln2_b = jnp.zeros((D,), jnp.float32)
    return {"feat": feat, "edge_index": edge_index, "Wq": Wq, "Wk": Wk, "Wv": Wv, "Wo": Wo, "ln1_g": ln1_g, "ln1_b": ln1_b, "W1": W1, "b1": b1, "W2": W2, "b2": b2, "ln2_g": ln2_g, "ln2_b": ln2_b}


def reference(feat, edge_index, Wq, Wk, Wv, Wo, ln1_g, ln1_b, W1, b1, W2, b2, ln2_g, ln2_b):
    src = edge_index[0]
    dst = edge_index[1]
    # project on nodes then gather per edge (equivalent to projecting gathered feats)
    qn = feat @ Wq.T
    kn = feat @ Wk.T
    vn = feat @ Wv.T
    q = qn[dst].reshape(-1, H, DH)
    k = kn[src].reshape(-1, H, DH)
    u = jnp.sum(q * k, axis=-1) / np.sqrt(DH)  # [E, H]
    u = jnp.clip(u, -CLAMP, CLAMP)
    # edge softmax over incoming edges of each dst node, per head
    umax = jax.ops.segment_max(u, dst, num_segments=N)  # [N, H]
    u_exp = jnp.exp(u - umax[dst])
    denom = jax.ops.segment_sum(u_exp, dst, num_segments=N)  # [N, H]
    a = u_exp / denom[dst]  # [E, H]
    v = vn[src].reshape(-1, H, DH)
    av = a[..., None] * v  # [E, H, DH]
    agg = jax.ops.segment_sum(av.reshape(-1, H * DH), dst, num_segments=N)  # [N, H*DH]
    uh = agg @ Wo.T
    h = layer_norm(feat + uh, ln1_g, ln1_b)
    ffn = jax.nn.relu(h @ W1.T + b1) @ W2.T + b2
    out = layer_norm(h + ffn, ln2_g, ln2_b)
    return out

if __name__ == "__main__":
    import jax
    _d = setup_inputs()
    print(jax.jit(kernel)(*tuple(_d.values())))

</pallas_src>

<mosaic_0001>
#map = affine_map<(d0, d1) -> (0, 0, 0)>
#map1 = affine_map<(d0, d1) -> (0, 0)>
module attributes {stable_mosaic.version = 14 : i64} {
  func.func @_sc_body(%arg0: i32, %arg1: i32, %arg2: memref<2560x1x125xi32, #tpu.memory_space<hbm>>, %arg3: memref<2560x1x125xi32, #tpu.memory_space<hbm>>, %arg4: memref<10000x64xbf16, #tpu.memory_space<hbm>>, %arg5: memref<10000x64xbf16, #tpu.memory_space<hbm>>, %arg6: memref<10000x128xbf16, #tpu.memory_space<hbm>>, %arg7: memref<10000x128xbf16, #tpu.memory_space<hbm>>, %arg8: memref<10112x72xf32, #tpu.memory_space<hbm>>, %arg9: memref<2x10112x72xf32, #tpu.memory_space<hbm>>, %arg10: memref<160x1x125xi32, #tpu.memory_space<vmem>>, %arg11: memref<160x1x125xi32, #tpu.memory_space<vmem>>, %arg12: memref<125x64xbf16, #tpu.memory_space<vmem>>, %arg13: memref<125x128xbf16, #tpu.memory_space<vmem>>, %arg14: memref<125x72xf32, #tpu.memory_space<vmem>>, %arg15: memref<125x64xbf16, #tpu.memory_space<vmem>>, %arg16: memref<125x128xbf16, #tpu.memory_space<vmem>>, %arg17: memref<125x72xf32, #tpu.memory_space<vmem>>, %arg18: memref<10112x72xf32, #tpu.memory_space<vmem_shared>>, %arg19: memref<!tpu.dma_semaphore, #tpu.memory_space<semaphore_mem>>, %arg20: memref<!tpu.dma_semaphore, #tpu.memory_space<semaphore_mem>>, %arg21: memref<!tpu.dma_semaphore, #tpu.memory_space<semaphore_mem>>, %arg22: memref<!tpu.dma_semaphore, #tpu.memory_space<semaphore_mem>>, %arg23: memref<!tpu.dma_semaphore, #tpu.memory_space<semaphore_mem>>, %arg24: memref<!tpu.dma_semaphore, #tpu.memory_space<semaphore_mem>>) attributes {dimension_semantics = [#tpu.dimension_semantics<core_parallel>, #tpu.dimension_semantics<subcore_parallel>], iteration_bounds = array<i64: 2, 16>, scalar_prefetch = 0 : i64, scratch_operands = 15 : i64, tpu.core_type = #tpu.core_type<sc_vector_subcore>, window_params = [{transform_indices = #map}, {transform_indices = #map}, {transform_indices = #map1}, {transform_indices = #map1}, {transform_indices = #map1}, {transform_indices = #map1}, {transform_indices = #map1}, {transform_indices = #map}]} {
    %mul3A = arith.constant 632 : i32
    %mul3A_0 = arith.muli %arg1, %mul3A : i32
    "tpu.region"() ({
      %run_scoped3A = tpu.sem_alloc : memref<!tpu.dma_semaphore, #tpu.memory_space<semaphore_mem>>
      %dma_start3A = arith.constant 0 : i32
      %dma_start3A_68 = tpu.memref_slice %arg18[%mul3A_0, %dma_start3A] : memref<10112x72xf32, #tpu.memory_space<vmem_shared>> -> memref<632x72xf32, #tpu.memory_space<vmem_shared>>
      %dma_start3A_69 = arith.constant 0 : i32
      %dma_start3A_70 = tpu.memref_slice %arg8[%mul3A_0, %dma_start3A_69] : memref<10112x72xf32, #tpu.memory_space<hbm>> -> memref<632x72xf32, #tpu.memory_space<hbm>>
      tpu.enqueue_dma source(%dma_start3A_70 : memref<632x72xf32, #tpu.memory_space<hbm>>) target(%dma_start3A_68 : memref<632x72xf32, #tpu.memory_space<vmem_shared>>) target_semaphore(%run_scoped3A : memref<!tpu.dma_semaphore, #tpu.memory_space<semaphore_mem>>)
      %dma_wait3A_71 = arith.constant 0 : i32
      %dma_wait3A_72 = tpu.memref_slice %arg18[%mul3A_0, %dma_wait3A_71] : memref<10112x72xf32, #tpu.memory_space<vmem_shared>> -> memref<632x72xf32, #tpu.memory_space<vmem_shared>>
      %dma_wait3A_73 = arith.constant 0 : i32
      %dma_wait3A_74 = tpu.memref_slice %arg8[%mul3A_0, %dma_wait3A_73] : memref<10112x72xf32, #tpu.memory_space<hbm>> -> memref<632x72xf32, #tpu.memory_space<hbm>>
      tpu.wait_dma2 semaphore(%run_scoped3A : memref<!tpu.dma_semaphore, #tpu.memory_space<semaphore_mem>>) src(%dma_wait3A_74 : memref<632x72xf32, #tpu.memory_space<hbm>>) dst(%dma_wait3A_72 : memref<632x72xf32, #tpu.memory_space<vmem_shared>>)
      tpu.yield
    }) : () -> ()
    %mul3A_1 = arith.constant 160 : i32
    %mul3A_2 = arith.muli %arg1, %mul3A_1 : i32
    "tpu.region"() ({
      %run_scoped3A = tpu.sem_alloc : memref<!tpu.dma_semaphore, #tpu.memory_space<semaphore_mem>>
      %dma_start3A = arith.constant 0 : i32
      %dma_start3A_68 = arith.constant 0 : i32
      %dma_start3A_69 = tpu.memref_slice %arg2[%mul3A_2, %dma_start3A, %dma_start3A_68] : memref<2560x1x125xi32, #tpu.memory_space<hbm>> -> memref<160x1x125xi32, #tpu.memory_space<hbm>>
      %dma_start3A_70 = arith.constant 0 : i32
      %dma_start3A_71 = arith.constant 0 : i32
      %dma_start3A_72 = tpu.memref_slice %arg2[%mul3A_2, %dma_start3A_70, %dma_start3A_71] : memref<2560x1x125xi32, #tpu.memory_space<hbm>> -> memref<160x1x125xi32, #tpu.memory_space<hbm>>
      tpu.enqueue_dma source(%dma_start3A_72 : memref<160x1x125xi32, #tpu.memory_space<hbm>>) target(%arg10 : memref<160x1x125xi32, #tpu.memory_space<vmem>>) target_semaphore(%run_scoped3A : memref<!tpu.dma_semaphore, #tpu.memory_space<semaphore_mem>>)
      %dma_wait3A_73 = arith.constant 0 : i32
      %dma_wait3A_74 = arith.constant 0 : i32
      %dma_wait3A_75 = tpu.memref_slice %arg2[%mul3A_2, %dma_wait3A_73, %dma_wait3A_74] : memref<2560x1x125xi32, #tpu.memory_space<hbm>> -> memref<160x1x125xi32, #tpu.memory_space<hbm>>
      %dma_wait3A_76 = arith.constant 0 : i32
      %dma_wait3A_77 = arith.constant 0 : i32
      %dma_wait3A_78 = tpu.memref_slice %arg2[%mul3A_2, %dma_wait3A_76, %dma_wait3A_77] : memref<2560x1x125xi32, #tpu.memory_space<hbm>> -> memref<160x1x125xi32, #tpu.memory_space<hbm>>
      tpu.wait_dma2 semaphore(%run_scoped3A : memref<!tpu.dma_semaphore, #tpu.memory_space<semaphore_mem>>) src(%dma_wait3A_78 : memref<160x1x125xi32, #tpu.memory_space<hbm>>) dst(%arg10 : memref<160x1x125xi32, #tpu.memory_space<vmem>>)
      tpu.yield
    }) : () -> ()
    "tpu.region"() ({
      %run_scoped3A = tpu.sem_alloc : memref<!tpu.dma_semaphore, #tpu.memory_space<semaphore_mem>>
      %dma_start3A = arith.constant 0 : i32
      %dma_start3A_68 = arith.constant 0 : i32
      %dma_start3A_69 = tpu.memref_slice %arg3[%mul3A_2, %dma_start3A, %dma_start3A_68] : memref<2560x1x125xi32, #tpu.memory_space<hbm>> -> memref<160x1x125xi32, #tpu.memory_space<hbm>>
      %dma_start3A_70 = arith.constant 0 : i32
      %dma_start3A_71 = arith.constant 0 : i32
      %dma_start3A_72 = tpu.memref_slice %arg3[%mul3A_2, %dma_start3A_70, %dma_start3A_71] : memref<2560x1x125xi32, #tpu.memory_space<hbm>> -> memref<160x1x125xi32, #tpu.memory_space<hbm>>
      tpu.enqueue_dma source(%dma_start3A_72 : memref<160x1x125xi32, #tpu.memory_space<hbm>>) target(%arg11 : memref<160x1x125xi32, #tpu.memory_space<vmem>>) target_semaphore(%run_scoped3A : memref<!tpu.dma_semaphore, #tpu.memory_space<semaphore_mem>>)
      %dma_wait3A_73 = arith.constant 0 : i32
      %dma_wait3A_74 = arith.constant 0 : i32
      %dma_wait3A_75 = tpu.memref_slice %arg3[%mul3A_2, %dma_wait3A_73, %dma_wait3A_74] : memref<2560x1x125xi32, #tpu.memory_space<hbm>> -> memref<160x1x125xi32, #tpu.memory_space<hbm>>
      %dma_wait3A_76 = arith.constant 0 : i32
      %dma_wait3A_77 = arith.constant 0 : i32
      %dma_wait3A_78 = tpu.memref_slice %arg3[%mul3A_2, %dma_wait3A_76, %dma_wait3A_77] : memref<2560x1x125xi32, #tpu.memory_space<hbm>> -> memref<160x1x125xi32, #tpu.memory_space<hbm>>
      tpu.wait_dma2 semaphore(%run_scoped3A : memref<!tpu.dma_semaphore, #tpu.memory_space<semaphore_mem>>) src(%dma_wait3A_78 : memref<160x1x125xi32, #tpu.memory_space<hbm>>) dst(%arg11 : memref<160x1x125xi32, #tpu.memory_space<vmem>>)
      tpu.yield
    }) : () -> ()
    %barrier3A = arith.constant 0 : index
    tpu.barrier barrier_id(%barrier3A)
    %iota3A = tpu.iota {dimensions = array<i32: 0>} : vector<16xi32>
    %xor3A = arith.constant 8 : i32
    %xor3A_3 = vector.broadcast %xor3A : i32 to vector<16xi32>
    %xor3A_4 = arith.xori %iota3A, %xor3A_3 : vector<16xi32>
    %xor3A_5 = arith.constant 4 : i32
    %xor3A_6 = vector.broadcast %xor3A_5 : i32 to vector<16xi32>
    %xor3A_7 = arith.xori %iota3A, %xor3A_6 : vector<16xi32>
    %xor3A_8 = arith.constant 2 : i32
    %xor3A_9 = vector.broadcast %xor3A_8 : i32 to vector<16xi32>
    %xor3A_10 = arith.xori %iota3A, %xor3A_9 : vector<16xi32>
    %xor3A_11 = arith.constant 1 : i32
    %xor3A_12 = vector.broadcast %xor3A_11 : i32 to vector<16xi32>
    %xor3A_13 = arith.xori %iota3A, %xor3A_12 : vector<16xi32>
    %jit3A = arith.constant 4 : i32
    %div3A = vector.broadcast %jit3A : i32 to vector<16xi32>
    %div3A_14 = arith.divsi %iota3A, %div3A : vector<16xi32>
    %sign3A = arith.constant 0 : i32
    %sign3A_15 = vector.broadcast %sign3A : i32 to vector<16xi32>
    %sign3A_16 = arith.cmpi sgt, %iota3A, %sign3A_15 : vector<16xi32>
    %sign3A_17 = arith.extui %sign3A_16 : vector<16xi1> to vector<16xi32>
    %sign3A_18 = arith.constant 0 : i32
    %sign3A_19 = vector.broadcast %sign3A_18 : i32 to vector<16xi32>
    %sign3A_20 = arith.cmpi slt, %iota3A, %sign3A_19 : vector<16xi32>
    %sign3A_21 = arith.extui %sign3A_20 : vector<16xi1> to vector<16xi32>
    %sign3A_22 = arith.subi %sign3A_17, %sign3A_21 : vector<16xi32>
    %sign3A_23 = arith.constant 0 : i32
    %sign3A_24 = arith.cmpi sgt, %jit3A, %sign3A_23 : i32
    %sign3A_25 = arith.extui %sign3A_24 : i1 to i32
    %sign3A_26 = arith.constant 0 : i32
    %sign3A_27 = arith.cmpi slt, %jit3A, %sign3A_26 : i32
    %sign3A_28 = arith.extui %sign3A_27 : i1 to i32
    %sign3A_29 = arith.subi %sign3A_25, %sign3A_28 : i32
    %ne3A = vector.broadcast %sign3A_29 : i32 to vector<16xi32>
    %ne3A_30 = arith.cmpi ne, %sign3A_22, %ne3A : vector<16xi32>
    %rem3A = vector.broadcast %jit3A : i32 to vector<16xi32>
    %rem3A_31 = arith.remsi %iota3A, %rem3A : vector<16xi32>
    %ne3A_32 = arith.constant 0 : i32
    %ne3A_33 = vector.broadcast %ne3A_32 : i32 to vector<16xi32>
    %ne3A_34 = arith.cmpi ne, %rem3A_31, %ne3A_33 : vector<16xi32>
    %and3A = arith.andi %ne3A_30, %ne3A_34 : vector<16xi1>
    %sub3A = arith.constant 1 : i32
    %sub3A_35 = vector.broadcast %sub3A : i32 to vector<16xi32>
    %sub3A_36 = arith.subi %div3A_14, %sub3A_35 : vector<16xi32>
    %select_n3A = arith.select %and3A, %sub3A_36, %div3A_14 : vector<16xi1>, vector<16xi32>
    %broadcast_in_dim3A = arith.constant 0 : i32
    %broadcast_in_dim3A_37 = vector.broadcast %broadcast_in_dim3A : i32 to vector<16xi32>
    %broadcast_in_dim3A_38 = arith.constant 4 : i32
    %broadcast_in_dim3A_39 = vector.broadcast %broadcast_in_dim3A_38 : i32 to vector<16xi32>
    %broadcast_in_dim3A_40 = arith.constant 8 : i32
    %broadcast_in_dim3A_41 = vector.broadcast %broadcast_in_dim3A_40 : i32 to vector<16xi32>
    %broadcast_in_dim3A_42 = arith.constant 12 : i32
    %broadcast_in_dim3A_43 = vector.broadcast %broadcast_in_dim3A_42 : i32 to vector<16xi32>
    %eq3A = arith.constant 0 : i32
    %eq3A_44 = arith.cmpi eq, %arg0, %eq3A : i32
    %convert_element_type3A = arith.extui %eq3A_44 : i1 to i32
    %cond3A = arith.constant 0 : i32
    %cond3A_45 = arith.cmpi ne, %convert_element_type3A, %cond3A : i32
    scf.if %cond3A_45 {
      %dma_start3A = arith.constant 0 : i32
      %dma_start3A_68 = arith.constant 0 : i32
      %dma_start3A_69 = arith.constant 0 : i32
      %dma_start3A_70 = tpu.memref_slice %arg11[%dma_start3A, %dma_start3A_68, %dma_start3A_69] : memref<160x1x125xi32, #tpu.memory_space<vmem>> -> memref<1x1x125xi32, #tpu.memory_space<vmem>>
      %dma_start3A_71 = tpu.memref_squeeze %dma_start3A_70 : memref<1x1x125xi32, #tpu.memory_space<vmem>> -> memref<125xi32, #tpu.memory_space<vmem>>
      %dma_start3A_72 = arith.constant 0 : i32
      %dma_start3A_73 = arith.constant 0 : i32
      %dma_start3A_74 = tpu.memref_slice %arg4[%dma_start3A_72, %dma_start3A_73] : memref<10000x64xbf16, #tpu.memory_space<hbm>> -> memref<10000x64xbf16, #tpu.memory_space<hbm>>
      tpu.enqueue_indirect_dma source(%dma_start3A_74 : memref<10000x64xbf16, #tpu.memory_space<hbm>>) target(%arg12 : memref<125x64xbf16, #tpu.memory_space<vmem>>) offsets(%dma_start3A_71 : memref<125xi32, #tpu.memory_space<vmem>>) semaphore(%arg19 : memref<!tpu.dma_semaphore, #tpu.memory_space<semaphore_mem>>)
      %dma_start3A_75 = arith.constant 0 : i32
      %dma_start3A_76 = arith.constant 0 : i32
      %dma_start3A_77 = arith.constant 0 : i32
      %dma_start3A_78 = tpu.memref_slice %arg10[%dma_start3A_75, %dma_start3A_76, %dma_start3A_77] : memref<160x1x125xi32, #tpu.memory_space<vmem>> -> memref<1x1x125xi32, #tpu.memory_space<vmem>>
      %dma_start3A_79 = tpu.memref_squeeze %dma_start3A_78 : memref<1x1x125xi32, #tpu.memory_space<vmem>> -> memref<125xi32, #tpu.memory_space<vmem>>
      %dma_start3A_80 = arith.constant 0 : i32
      %dma_start3A_81 = arith.constant 0 : i32
      %dma_start3A_82 = tpu.memref_slice %arg6[%dma_start3A_80, %dma_start3A_81] : memref<10000x128xbf16, #tpu.memory_space<hbm>> -> memref<10000x128xbf16, #tpu.memory_space<hbm>>
      tpu.enqueue_indirect_dma source(%dma_start3A_82 : memref<10000x128xbf16, #tpu.memory_space<hbm>>) target(%arg13 : memref<125x128xbf16, #tpu.memory_space<vmem>>) offsets(%dma_start3A_79 : memref<125xi32, #tpu.memory_space<vmem>>) semaphore(%arg20 : memref<!tpu.dma_semaphore, #tpu.memory_space<semaphore_mem>>)
    } else {
    }
    %eq3A_46 = arith.constant 1 : i32
    %eq3A_47 = arith.cmpi eq, %arg0, %eq3A_46 : i32
    %convert_element_type3A_48 = arith.extui %eq3A_47 : i1 to i32
    %cond3A_49 = arith.constant 0 : i32
    %cond3A_50 = arith.cmpi ne, %convert_element_type3A_48, %cond3A_49 : i32
    scf.if %cond3A_50 {
      %dma_start3A = arith.constant 0 : i32
      %dma_start3A_68 = arith.constant 0 : i32
      %dma_start3A_69 = arith.constant 0 : i32
      %dma_start3A_70 = tpu.memref_slice %arg11[%dma_start3A, %dma_start3A_68, %dma_start3A_69] : memref<160x1x125xi32, #tpu.memory_space<vmem>> -> memref<1x1x125xi32, #tpu.memory_space<vmem>>
      %dma_start3A_71 = tpu.memref_squeeze %dma_start3A_70 : memref<1x1x125xi32, #tpu.memory_space<vmem>> -> memref<125xi32, #tpu.memory_space<vmem>>
      %dma_start3A_72 = arith.constant 0 : i32
      %dma_start3A_73 = arith.constant 0 : i32
      %dma_start3A_74 = tpu.memref_slice %arg5[%dma_start3A_72, %dma_start3A_73] : memref<10000x64xbf16, #tpu.memory_space<hbm>> -> memref<10000x64xbf16, #tpu.memory_space<hbm>>
      tpu.enqueue_indirect_dma source(%dma_start3A_74 : memref<10000x64xbf16, #tpu.memory_space<hbm>>) target(%arg12 : memref<125x64xbf16, #tpu.memory_space<vmem>>) offsets(%dma_start3A_71 : memref<125xi32, #tpu.memory_space<vmem>>) semaphore(%arg19 : memref<!tpu.dma_semaphore, #tpu.memory_space<semaphore_mem>>)
      %dma_start3A_75 = arith.constant 0 : i32
      %dma_start3A_76 = arith.constant 0 : i32
      %dma_start3A_77 = arith.constant 0 : i32
      %dma_start3A_78 = tpu.memref_slice %arg10[%dma_start3A_75, %dma_start3A_76, %dma_start3A_77] : memref<160x1x125xi32, #tpu.memory_space<vmem>> -> memref<1x1x125xi32, #tpu.memory_space<vmem>>
      %dma_start3A_79 = tpu.memref_squeeze %dma_start3A_78 : memref<1x1x125xi32, #tpu.memory_space<vmem>> -> memref<125xi32, #tpu.memory_space<vmem>>
      %dma_start3A_80 = arith.constant 0 : i32
      %dma_start3A_81 = arith.constant 0 : i32
      %dma_start3A_82 = tpu.memref_slice %arg7[%dma_start3A_80, %dma_start3A_81] : memref<10000x128xbf16, #tpu.memory_space<hbm>> -> memref<10000x128xbf16, #tpu.memory_space<hbm>>
      tpu.enqueue_indirect_dma source(%dma_start3A_82 : memref<10000x128xbf16, #tpu.memory_space<hbm>>) target(%arg13 : memref<125x128xbf16, #tpu.memory_space<vmem>>) offsets(%dma_start3A_79 : memref<125xi32, #tpu.memory_space<vmem>>) semaphore(%arg20 : memref<!tpu.dma_semaphore, #tpu.memory_space<semaphore_mem>>)
    } else {
    }
    %scan3A = arith.constant 0 : i32
    %scan3A_51 = arith.constant 0 : i32
    %scan3A_52 = arith.constant 80 : i32
    %scan3A_53 = arith.addi %scan3A_51, %scan3A_52 : i32
    %scan3A_54 = arith.constant 1 : i32
    scf.for %scan3A_68 = %scan3A_51 to %scan3A_53 step %scan3A_54  : i32 {
      %mul3A_69 = arith.constant 2 : i32
      %mul3A_70 = arith.muli %mul3A_69, %scan3A_68 : i32
      %add3A = arith.constant 1 : i32
      %add3A_71 = arith.addi %mul3A_70, %add3A : i32
      %eq3A_72 = arith.constant 0 : i32
      %eq3A_73 = arith.cmpi eq, %arg0, %eq3A_72 : i32
      %convert_element_type3A_74 = arith.extui %eq3A_73 : i1 to i32
      %cond3A_75 = arith.constant 0 : i32
      %cond3A_76 = arith.cmpi ne, %convert_element_type3A_74, %cond3A_75 : i32
      scf.if %cond3A_76 {
        %dma_start3A_139 = arith.constant 0 : i32
        %dma_start3A_140 = arith.constant 0 : i32
        %dma_start3A_141 = tpu.memref_slice %arg11[%add3A_71, %dma_start3A_139, %dma_start3A_140] : memref<160x1x125xi32, #tpu.memory_space<vmem>> -> memref<1x1x125xi32, #tpu.memory_space<vmem>>
        %dma_start3A_142 = tpu.memref_squeeze %dma_start3A_141 : memref<1x1x125xi32, #tpu.memory_space<vmem>> -> memref<125xi32, #tpu.memory_space<vmem>>
        %dma_start3A_143 = arith.constant 0 : i32
        %dma_start3A_144 = arith.constant 0 : i32
        %dma_start3A_145 = tpu.memref_slice %arg4[%dma_start3A_143, %dma_start3A_144] : memref<10000x64xbf16, #tpu.memory_space<hbm>> -> memref<10000x64xbf16, #tpu.memory_space<hbm>>
        tpu.enqueue_indirect_dma source(%dma_start3A_145 : memref<10000x64xbf16, #tpu.memory_space<hbm>>) target(%arg15 : memref<125x64xbf16, #tpu.memory_space<vmem>>) offsets(%dma_start3A_142 : memref<125xi32, #tpu.memory_space<vmem>>) semaphore(%arg21 : memref<!tpu.dma_semaphore, #tpu.memory_space<semaphore_mem>>)
        %dma_start3A_146 = arith.constant 0 : i32
        %dma_start3A_147 = arith.constant 0 : i32
        %dma_start3A_148 = tpu.memref_slice %arg10[%add3A_71, %dma_start3A_146, %dma_start3A_147] : memref<160x1x125xi32, #tpu.memory_space<vmem>> -> memref<1x1x125xi32, #tpu.memory_space<vmem>>
        %dma_start3A_149 = tpu.memref_squeeze %dma_start3A_148 : memref<1x1x125xi32, #tpu.memory_space<vmem>> -> memref<125xi32, #tpu.memory_space<vmem>>
        %dma_start3A_150 = arith.constant 0 : i32
        %dma_start3A_151 = arith.constant 0 : i32
        %dma_start3A_152 = tpu.memref_slice %arg6[%dma_start3A_150, %dma_start3A_151] : memref<10000x128xbf16, #tpu.memory_space<hbm>> -> memref<10000x128xbf16, #tpu.memory_space<hbm>>
        tpu.enqueue_indirect_dma source(%dma_start3A_152 : memref<10000x128xbf16, #tpu.memory_space<hbm>>) target(%arg16 : memref<125x128xbf16, #tpu.memory_space<vmem>>) offsets(%dma_start3A_149 : memref<125xi32, #tpu.memory_space<vmem>>) semaphore(%arg22 : memref<!tpu.dma_semaphore, #tpu.memory_space<semaphore_mem>>)
      } else {
      }
      %eq3A_77 = arith.constant 1 : i32
      %eq3A_78 = arith.cmpi eq, %arg0, %eq3A_77 : i32
      %convert_element_type3A_79 = arith.extui %eq3A_78 : i1 to i32
      %cond3A_80 = arith.constant 0 : i32
      %cond3A_81 = arith.cmpi ne, %convert_element_type3A_79, %cond3A_80 : i32
      scf.if %cond3A_81 {
        %dma_start3A_139 = arith.constant 0 : i32
        %dma_start3A_140 = arith.constant 0 : i32
        %dma_start3A_141 = tpu.memref_slice %arg11[%add3A_71, %dma_start3A_139, %dma_start3A_140] : memref<160x1x125xi32, #tpu.memory_space<vmem>> -> memref<1x1x125xi32, #tpu.memory_space<vmem>>
        %dma_start3A_142 = tpu.memref_squeeze %dma_start3A_141 : memref<1x1x125xi32, #tpu.memory_space<vmem>> -> memref<125xi32, #tpu.memory_space<vmem>>
        %dma_start3A_143 = arith.constant 0 : i32
        %dma_start3A_144 = arith.constant 0 : i32
        %dma_start3A_145 = tpu.memref_slice %arg5[%dma_start3A_143, %dma_start3A_144] : memref<10000x64xbf16, #tpu.memory_space<hbm>> -> memref<10000x64xbf16, #tpu.memory_space<hbm>>
        tpu.enqueue_indirect_dma source(%dma_start3A_145 : memref<10000x64xbf16, #tpu.memory_space<hbm>>) target(%arg15 : memref<125x64xbf16, #tpu.memory_space<vmem>>) offsets(%dma_start3A_142 : memref<125xi32, #tpu.memory_space<vmem>>) semaphore(%arg21 : memref<!tpu.dma_semaphore, #tpu.memory_space<semaphore_mem>>)
        %dma_start3A_146 = arith.constant 0 : i32
        %dma_start3A_147 = arith.constant 0 : i32
        %dma_start3A_148 = tpu.memref_slice %arg10[%add3A_71, %dma_start3A_146, %dma_start3A_147] : memref<160x1x125xi32, #tpu.memory_space<vmem>> -> memref<1x1x125xi32, #tpu.memory_space<vmem>>
        %dma_start3A_149 = tpu.memref_squeeze %dma_start3A_148 : memref<1x1x125xi32, #tpu.memory_space<vmem>> -> memref<125xi32, #tpu.memory_space<vmem>>
        %dma_start3A_150 = arith.constant 0 : i32
        %dma_start3A_151 = arith.constant 0 : i32
        %dma_start3A_152 = tpu.memref_slice %arg7[%dma_start3A_150, %dma_start3A_151] : memref<10000x128xbf16, #tpu.memory_space<hbm>> -> memref<10000x128xbf16, #tpu.memory_space<hbm>>
        tpu.enqueue_indirect_dma source(%dma_start3A_152 : memref<10000x128xbf16, #tpu.memory_space<hbm>>) target(%arg16 : memref<125x128xbf16, #tpu.memory_space<vmem>>) offsets(%dma_start3A_149 : memref<125xi32, #tpu.memory_space<vmem>>) semaphore(%arg22 : memref<!tpu.dma_semaphore, #tpu.memory_space<semaphore_mem>>)
      } else {
      }
      %gt3A = arith.constant 0 : i32
      %gt3A_82 = arith.cmpi sgt, %scan3A_68, %gt3A : i32
      %convert_element_type3A_83 = arith.extui %gt3A_82 : i1 to i32
      %cond3A_84 = arith.constant 0 : i32
      %cond3A_85 = arith.cmpi ne, %convert_element_type3A_83, %cond3A_84 : i32
      scf.if %cond3A_85 {
        %dma_wait3A_139 = arith.constant 0 : i32
        %dma_wait3A_140 = arith.constant 0 : i32
        %dma_wait3A_141 = tpu.memref_slice %arg8[%dma_wait3A_139, %dma_wait3A_140] : memref<10112x72xf32, #tpu.memory_space<hbm>> -> memref<125x72xf32, #tpu.memory_space<hbm>>
        %dma_wait3A_142 = arith.constant 0 : i32
        %dma_wait3A_143 = arith.constant 0 : i32
        %dma_wait3A_144 = tpu.memref_slice %arg8[%dma_wait3A_142, %dma_wait3A_143] : memref<10112x72xf32, #tpu.memory_space<hbm>> -> memref<125x72xf32, #tpu.memory_space<hbm>>
        tpu.wait_dma2 semaphore(%arg23 : memref<!tpu.dma_semaphore, #tpu.memory_space<semaphore_mem>>) src(%dma_wait3A_144 : memref<125x72xf32, #tpu.memory_space<hbm>>) dst(%arg14 : memref<125x72xf32, #tpu.memory_space<vmem>>)
      } else {
      }
      %dma_wait3A_86 = arith.constant 0 : i32
      %dma_wait3A_87 = arith.constant 0 : i32
      %dma_wait3A_88 = tpu.memref_slice %arg4[%dma_wait3A_86, %dma_wait3A_87] : memref<10000x64xbf16, #tpu.memory_space<hbm>> -> memref<125x64xbf16, #tpu.memory_space<hbm>>
      %dma_wait3A_89 = arith.constant 0 : i32
      %dma_wait3A_90 = arith.constant 0 : i32
      %dma_wait3A_91 = tpu.memref_slice %arg4[%dma_wait3A_89, %dma_wait3A_90] : memref<10000x64xbf16, #tpu.memory_space<hbm>> -> memref<125x64xbf16, #tpu.memory_space<hbm>>
      tpu.wait_dma2 semaphore(%arg19 : memref<!tpu.dma_semaphore, #tpu.memory_space<semaphore_mem>>) src(%dma_wait3A_91 : memref<125x64xbf16, #tpu.memory_space<hbm>>) dst(%arg12 : memref<125x64xbf16, #tpu.memory_space<vmem>>)
      %dma_wait3A_92 = arith.constant 0 : i32
      %dma_wait3A_93 = arith.constant 0 : i32
      %dma_wait3A_94 = tpu.memref_slice %arg6[%dma_wait3A_92, %dma_wait3A_93] : memref<10000x128xbf16, #tpu.memory_space<hbm>> -> memref<125x128xbf16, #tpu.memory_space<hbm>>
      %dma_wait3A_95 = arith.constant 0 : i32
      %dma_wait3A_96 = arith.constant 0 : i32
      %dma_wait3A_97 = tpu.memref_slice %arg6[%dma_wait3A_95, %dma_wait3A_96] : memref<10000x128xbf16, #tpu.memory_space<hbm>> -> memref<125x128xbf16, #tpu.memory_space<hbm>>
      tpu.wait_dma2 semaphore(%arg20 : memref<!tpu.dma_semaphore, #tpu.memory_space<semaphore_mem>>) src(%dma_wait3A_97 : memref<125x128xbf16, #tpu.memory_space<hbm>>) dst(%arg13 : memref<125x128xbf16, #tpu.memory_space<vmem>>)
      %parallel_loop3A = arith.constant 0 : i32
      %parallel_loop3A_98 = arith.constant 125 : i32
      %parallel_loop3A_99 = arith.constant 1 : i32
      scf.for %parallel_loop3A_139 = %parallel_loop3A to %parallel_loop3A_98 step %parallel_loop3A_99  : i32 {
        %parallel_loop3A_140 = arith.index_cast %parallel_loop3A_139 : i32 to index
        %parallel_loop3A_141 = arith.constant 0 : index
        %parallel_loop3A_142 = tpu.vector_load %arg12[%parallel_loop3A_140, %parallel_loop3A_141] {strides = array<i32>} : memref<125x64xbf16, #tpu.memory_space<vmem>>, vector<32xbf16>,
        %parallel_loop3A_143 = tpu.unpack_subelements %parallel_loop3A_142, 0 {pack_format = #tpu.pack_format<interleaved>} : vector<32xbf16> -> vector<16xf32>
        %parallel_loop3A_144 = tpu.unpack_subelements %parallel_loop3A_142, 1 {pack_format = #tpu.pack_format<interleaved>} : vector<32xbf16> -> vector<16xf32>
        %parallel_loop3A_145 = arith.index_cast %parallel_loop3A_139 : i32 to index
        %parallel_loop3A_146 = arith.constant 0 : index
        %parallel_loop3A_147 = tpu.vector_load %arg13[%parallel_loop3A_145, %parallel_loop3A_146] {strides = array<i32>} : memref<125x128xbf16, #tpu.memory_space<vmem>>, vector<32xbf16>,
        %parallel_loop3A_148 = tpu.unpack_subelements %parallel_loop3A_147, 0 {pack_format = #tpu.pack_format<interleaved>} : vector<32xbf16> -> vector<16xf32>
        %parallel_loop3A_149 = tpu.unpack_subelements %parallel_loop3A_147, 1 {pack_format = #tpu.pack_format<interleaved>} : vector<32xbf16> -> vector<16xf32>
        %parallel_loop3A_150 = arith.index_cast %parallel_loop3A_139 : i32 to index
        %parallel_loop3A_151 = arith.constant 64 : index
        %parallel_loop3A_152 = tpu.vector_load %arg13[%parallel_loop3A_150, %parallel_loop3A_151] {strides = array<i32>} : memref<125x128xbf16, #tpu.memory_space<vmem>>, vector<32xbf16>,
        %parallel_loop3A_153 = tpu.unpack_subelements %parallel_loop3A_152, 0 {pack_format = #tpu.pack_format<interleaved>} : vector<32xbf16> -> vector<16xf32>
        %parallel_loop3A_154 = tpu.unpack_subelements %parallel_loop3A_152, 1 {pack_format = #tpu.pack_format<interleaved>} : vector<32xbf16> -> vector<16xf32>
        %parallel_loop3A_155 = arith.mulf %parallel_loop3A_143, %parallel_loop3A_148 : vector<16xf32>
        %parallel_loop3A_156 = arith.constant 0 : i32
        %parallel_loop3A_157 = vector.broadcast %parallel_loop3A_156 : i32 to vector<16xi32>
        %parallel_loop3A_158 = arith.cmpi slt, %xor3A_4, %parallel_loop3A_157 : vector<16xi32>
        %parallel_loop3A_159 = arith.constant 16 : i32
        %parallel_loop3A_160 = vector.broadcast %parallel_loop3A_159 : i32 to vector<16xi32>
        %parallel_loop3A_161 = arith.addi %xor3A_4, %parallel_loop3A_160 : vector<16xi32>
        %parallel_loop3A_162 = arith.select %parallel_loop3A_158, %parallel_loop3A_161, %xor3A_4 : vector<16xi1>, vector<16xi32>
        %parallel_loop3A_163 = vector.shape_cast %parallel_loop3A_162 : vector<16xi32> to vector<16x1xi32>
        %parallel_loop3A_164 = vector.shape_cast %parallel_loop3A_163 : vector<16x1xi32> to vector<16xi32>
        %parallel_loop3A_165 = tpu.dynamic_gather %parallel_loop3A_155[%parallel_loop3A_164] in [0] : vector<16xf32>, vector<16xi32> -> vector<16xf32>
        %parallel_loop3A_166 = arith.addf %parallel_loop3A_155, %parallel_loop3A_165 : vector<16xf32>
        %parallel_loop3A_167 = arith.constant 0 : i32
        %parallel_loop3A_168 = vector.broadcast %parallel_loop3A_167 : i32 to vector<16xi32>
        %parallel_loop3A_169 = arith.cmpi slt, %xor3A_7, %parallel_loop3A_168 : vector<16xi32>
        %parallel_loop3A_170 = arith.constant 16 : i32
        %parallel_loop3A_171 = vector.broadcast %parallel_loop3A_170 : i32 to vector<16xi32>
        %parallel_loop3A_172 = arith.addi %xor3A_7, %parallel_loop3A_171 : vector<16xi32>
        %parallel_loop3A_173 = arith.select %parallel_loop3A_169, %parallel_loop3A_172, %xor3A_7 : vector<16xi1>, vector<16xi32>
        %parallel_loop3A_174 = vector.shape_cast %parallel_loop3A_173 : vector<16xi32> to vector<16x1xi32>
        %parallel_loop3A_175 = vector.shape_cast %parallel_loop3A_174 : vector<16x1xi32> to vector<16xi32>
        %parallel_loop3A_176 = tpu.dynamic_gather %parallel_loop3A_166[%parallel_loop3A_175] in [0] : vector<16xf32>, vector<16xi32> -> vector<16xf32>
        %parallel_loop3A_177 = arith.addf %parallel_loop3A_166, %parallel_loop3A_176 : vector<16xf32>
        %parallel_loop3A_178 = arith.mulf %parallel_loop3A_144, %parallel_loop3A_149 : vector<16xf32>
        %parallel_loop3A_179 = arith.constant 0 : i32
        %parallel_loop3A_180 = vector.broadcast %parallel_loop3A_179 : i32 to vector<16xi32>
        %parallel_loop3A_181 = arith.cmpi slt, %xor3A_4, %parallel_loop3A_180 : vector<16xi32>
        %parallel_loop3A_182 = arith.constant 16 : i32
        %parallel_loop3A_183 = vector.broadcast %parallel_loop3A_182 : i32 to vector<16xi32>
        %parallel_loop3A_184 = arith.addi %xor3A_4, %parallel_loop3A_183 : vector<16xi32>
        %parallel_loop3A_185 = arith.select %parallel_loop3A_181, %parallel_loop3A_184, %xor3A_4 : vector<16xi1>, vector<16xi32>
        %parallel_loop3A_186 = vector.shape_cast %parallel_loop3A_185 : vector<16xi32> to vector<16x1xi32>
        %parallel_loop3A_187 = vector.shape_cast %parallel_loop3A_186 : vector<16x1xi32> to vector<16xi32>
        %parallel_loop3A_188 = tpu.dynamic_gather %parallel_loop3A_178[%parallel_loop3A_187] in [0] : vector<16xf32>, vector<16xi32> -> vector<16xf32>
        %parallel_loop3A_189 = arith.addf %parallel_loop3A_178, %parallel_loop3A_188 : vector<16xf32>
        %parallel_loop3A_190 = arith.constant 0 : i32
        %parallel_loop3A_191 = vector.broadcast %parallel_loop3A_190 : i32 to vector<16xi32>
        %parallel_loop3A_192 = arith.cmpi slt, %xor3A_7, %parallel_loop3A_191 : vector<16xi32>
        %parallel_loop3A_193 = arith.constant 16 : i32
        %parallel_loop3A_194 = vector.broadcast %parallel_loop3A_193 : i32 to vector<16xi32>
        %parallel_loop3A_195 = arith.addi %xor3A_7, %parallel_loop3A_194 : vector<16xi32>
        %parallel_loop3A_196 = arith.select %parallel_loop3A_192, %parallel_loop3A_195, %xor3A_7 : vector<16xi1>, vector<16xi32>
        %parallel_loop3A_197 = vector.shape_cast %parallel_loop3A_196 : vector<16xi32> to vector<16x1xi32>
        %parallel_loop3A_198 = vector.shape_cast %parallel_loop3A_197 : vector<16x1xi32> to vector<16xi32>
        %parallel_loop3A_199 = tpu.dynamic_gather %parallel_loop3A_189[%parallel_loop3A_198] in [0] : vector<16xf32>, vector<16xi32> -> vector<16xf32>
        %parallel_loop3A_200 = arith.addf %parallel_loop3A_189, %parallel_loop3A_199 : vector<16xf32>
        %parallel_loop3A_201 = arith.index_cast %parallel_loop3A_139 : i32 to index
        %parallel_loop3A_202 = arith.constant 32 : index
        %parallel_loop3A_203 = tpu.vector_load %arg12[%parallel_loop3A_201, %parallel_loop3A_202] {strides = array<i32>} : memref<125x64xbf16, #tpu.memory_space<vmem>>, vector<32xbf16>,
        %parallel_loop3A_204 = tpu.unpack_subelements %parallel_loop3A_203, 0 {pack_format = #tpu.pack_format<interleaved>} : vector<32xbf16> -> vector<16xf32>
        %parallel_loop3A_205 = tpu.unpack_subelements %parallel_loop3A_203, 1 {pack_format = #tpu.pack_format<interleaved>} : vector<32xbf16> -> vector<16xf32>
        %parallel_loop3A_206 = arith.index_cast %parallel_loop3A_139 : i32 to index
        %parallel_loop3A_207 = arith.constant 32 : index
        %parallel_loop3A_208 = tpu.vector_load %arg13[%parallel_loop3A_206, %parallel_loop3A_207] {strides = array<i32>} : memref<125x128xbf16, #tpu.memory_space<vmem>>, vector<32xbf16>,
        %parallel_loop3A_209 = tpu.unpack_subelements %parallel_loop3A_208, 0 {pack_format = #tpu.pack_format<interleaved>} : vector<32xbf16> -> vector<16xf32>
        %parallel_loop3A_210 = tpu.unpack_subelements %parallel_loop3A_208, 1 {pack_format = #tpu.pack_format<interleaved>} : vector<32xbf16> -> vector<16xf32>
        %parallel_loop3A_211 = arith.index_cast %parallel_loop3A_139 : i32 to index
        %parallel_loop3A_212 = arith.constant 96 : index
        %parallel_loop3A_213 = tpu.vector_load %arg13[%parallel_loop3A_211, %parallel_loop3A_212] {strides = array<i32>} : memref<125x128xbf16, #tpu.memory_space<vmem>>, vector<32xbf16>,
        %parallel_loop3A_214 = tpu.unpack_subelements %parallel_loop3A_213, 0 {pack_format = #tpu.pack_format<interleaved>} : vector<32xbf16> -> vector<16xf32>
        %parallel_loop3A_215 = tpu.unpack_subelements %parallel_loop3A_213, 1 {pack_format = #tpu.pack_format<interleaved>} : vector<32xbf16> -> vector<16xf32>
        %parallel_loop3A_216 = arith.mulf %parallel_loop3A_204, %parallel_loop3A_209 : vector<16xf32>
        %parallel_loop3A_217 = arith.constant 0 : i32
        %parallel_loop3A_218 = vector.broadcast %parallel_loop3A_217 : i32 to vector<16xi32>
        %parallel_loop3A_219 = arith.cmpi slt, %xor3A_4, %parallel_loop3A_218 : vector<16xi32>
        %parallel_loop3A_220 = arith.constant 16 : i32
        %parallel_loop3A_221 = vector.broadcast %parallel_loop3A_220 : i32 to vector<16xi32>
        %parallel_loop3A_222 = arith.addi %xor3A_4, %parallel_loop3A_221 : vector<16xi32>
        %parallel_loop3A_223 = arith.select %parallel_loop3A_219, %parallel_loop3A_222, %xor3A_4 : vector<16xi1>, vector<16xi32>
        %parallel_loop3A_224 = vector.shape_cast %parallel_loop3A_223 : vector<16xi32> to vector<16x1xi32>
        %parallel_loop3A_225 = vector.shape_cast %parallel_loop3A_224 : vector<16x1xi32> to vector<16xi32>
        %parallel_loop3A_226 = tpu.dynamic_gather %parallel_loop3A_216[%parallel_loop3A_225] in [0] : vector<16xf32>, vector<16xi32> -> vector<16xf32>
        %parallel_loop3A_227 = arith.addf %parallel_loop3A_216, %parallel_loop3A_226 : vector<16xf32>
        %parallel_loop3A_228 = arith.constant 0 : i32
        %parallel_loop3A_229 = vector.broadcast %parallel_loop3A_228 : i32 to vector<16xi32>
        %parallel_loop3A_230 = arith.cmpi slt, %xor3A_7, %parallel_loop3A_229 : vector<16xi32>
        %parallel_loop3A_231 = arith.constant 16 : i32
        %parallel_loop3A_232 = vector.broadcast %parallel_loop3A_231 : i32 to vector<16xi32>
        %parallel_loop3A_233 = arith.addi %xor3A_7, %parallel_loop3A_232 : vector<16xi32>
        %parallel_loop3A_234 = arith.select %parallel_loop3A_230, %parallel_loop3A_233, %xor3A_7 : vector<16xi1>, vector<16xi32>
        %parallel_loop3A_235 = vector.shape_cast %parallel_loop3A_234 : vector<16xi32> to vector<16x1xi32>
        %parallel_loop3A_236 = vector.shape_cast %parallel_loop3A_235 : vector<16x1xi32> to vector<16xi32>
        %parallel_loop3A_237 = tpu.dynamic_gather %parallel_loop3A_227[%parallel_loop3A_236] in [0] : vector<16xf32>, vector<16xi32> -> vector<16xf32>
        %parallel_loop3A_238 = arith.addf %parallel_loop3A_227, %parallel_loop3A_237 : vector<16xf32>
        %parallel_loop3A_239 = arith.mulf %parallel_loop3A_205, %parallel_loop3A_210 : vector<16xf32>
        %parallel_loop3A_240 = arith.constant 0 : i32
        %parallel_loop3A_241 = vector.broadcast %parallel_loop3A_240 : i32 to vector<16xi32>
        %parallel_loop3A_242 = arith.cmpi slt, %xor3A_4, %parallel_loop3A_241 : vector<16xi32>
        %parallel_loop3A_243 = arith.constant 16 : i32
        %parallel_loop3A_244 = vector.broadcast %parallel_loop3A_243 : i32 to vector<16xi32>
        %parallel_loop3A_245 = arith.addi %xor3A_4, %parallel_loop3A_244 : vector<16xi32>
        %parallel_loop3A_246 = arith.select %parallel_loop3A_242, %parallel_loop3A_245, %xor3A_4 : vector<16xi1>, vector<16xi32>
        %parallel_loop3A_247 = vector.shape_cast %parallel_loop3A_246 : vector<16xi32> to vector<16x1xi32>
        %parallel_loop3A_248 = vector.shape_cast %parallel_loop3A_247 : vector<16x1xi32> to vector<16xi32>
        %parallel_loop3A_249 = tpu.dynamic_gather %parallel_loop3A_239[%parallel_loop3A_248] in [0] : vector<16xf32>, vector<16xi32> -> vector<16xf32>
        %parallel_loop3A_250 = arith.addf %parallel_loop3A_239, %parallel_loop3A_249 : vector<16xf32>
        %parallel_loop3A_251 = arith.constant 0 : i32
        %parallel_loop3A_252 = vector.broadcast %parallel_loop3A_251 : i32 to vector<16xi32>
        %parallel_loop3A_253 = arith.cmpi slt, %xor3A_7, %parallel_loop3A_252 : vector<16xi32>
        %parallel_loop3A_254 = arith.constant 16 : i32
        %parallel_loop3A_255 = vector.broadcast %parallel_loop3A_254 : i32 to vector<16xi32>
        %parallel_loop3A_256 = arith.addi %xor3A_7, %parallel_loop3A_255 : vector<16xi32>
        %parallel_loop3A_257 = arith.select %parallel_loop3A_253, %parallel_loop3A_256, %xor3A_7 : vector<16xi1>, vector<16xi32>
        %parallel_loop3A_258 = vector.shape_cast %parallel_loop3A_257 : vector<16xi32> to vector<16x1xi32>
        %parallel_loop3A_259 = vector.shape_cast %parallel_loop3A_258 : vector<16x1xi32> to vector<16xi32>
        %parallel_loop3A_260 = tpu.dynamic_gather %parallel_loop3A_250[%parallel_loop3A_259] in [0] : vector<16xf32>, vector<16xi32> -> vector<16xf32>
        %parallel_loop3A_261 = arith.addf %parallel_loop3A_250, %parallel_loop3A_260 : vector<16xf32>
        %parallel_loop3A_262 = arith.constant 1 : i32
        %parallel_loop3A_263 = vector.broadcast %parallel_loop3A_262 : i32 to vector<16xi32>
        %parallel_loop3A_264 = arith.cmpi eq, %select_n3A, %parallel_loop3A_263 : vector<16xi32>
        %parallel_loop3A_265 = arith.select %parallel_loop3A_264, %parallel_loop3A_200, %parallel_loop3A_177 : vector<16xi1>, vector<16xf32>
        %parallel_loop3A_266 = arith.constant 2 : i32
        %parallel_loop3A_267 = vector.broadcast %parallel_loop3A_266 : i32 to vector<16xi32>
        %parallel_loop3A_268 = arith.cmpi eq, %select_n3A, %parallel_loop3A_267 : vector<16xi32>
        %parallel_loop3A_269 = arith.select %parallel_loop3A_268, %parallel_loop3A_238, %parallel_loop3A_265 : vector<16xi1>, vector<16xf32>
        %parallel_loop3A_270 = arith.constant 3 : i32
        %parallel_loop3A_271 = vector.broadcast %parallel_loop3A_270 : i32 to vector<16xi32>
        %parallel_loop3A_272 = arith.cmpi eq, %select_n3A, %parallel_loop3A_271 : vector<16xi32>
        %parallel_loop3A_273 = arith.select %parallel_loop3A_272, %parallel_loop3A_261, %parallel_loop3A_269 : vector<16xi1>, vector<16xf32>
        %parallel_loop3A_274 = arith.constant 0 : i32
        %parallel_loop3A_275 = vector.broadcast %parallel_loop3A_274 : i32 to vector<16xi32>
        %parallel_loop3A_276 = arith.cmpi slt, %xor3A_10, %parallel_loop3A_275 : vector<16xi32>
        %parallel_loop3A_277 = arith.constant 16 : i32
        %parallel_loop3A_278 = vector.broadcast %parallel_loop3A_277 : i32 to vector<16xi32>
        %parallel_loop3A_279 = arith.addi %xor3A_10, %parallel_loop3A_278 : vector<16xi32>
        %parallel_loop3A_280 = arith.select %parallel_loop3A_276, %parallel_loop3A_279, %xor3A_10 : vector<16xi1>, vector<16xi32>
        %parallel_loop3A_281 = vector.shape_cast %parallel_loop3A_280 : vector<16xi32> to vector<16x1xi32>
        %parallel_loop3A_282 = vector.shape_cast %parallel_loop3A_281 : vector<16x1xi32> to vector<16xi32>
        %parallel_loop3A_283 = tpu.dynamic_gather %parallel_loop3A_273[%parallel_loop3A_282] in [0] : vector<16xf32>, vector<16xi32> -> vector<16xf32>
        %parallel_loop3A_284 = arith.addf %parallel_loop3A_273, %parallel_loop3A_283 : vector<16xf32>
        %parallel_loop3A_285 = arith.constant 0 : i32
        %parallel_loop3A_286 = vector.broadcast %parallel_loop3A_285 : i32 to vector<16xi32>
        %parallel_loop3A_287 = arith.cmpi slt, %xor3A_13, %parallel_loop3A_286 : vector<16xi32>
        %parallel_loop3A_288 = arith.constant 16 : i32
        %parallel_loop3A_289 = vector.broadcast %parallel_loop3A_288 : i32 to vector<16xi32>
        %parallel_loop3A_290 = arith.addi %xor3A_13, %parallel_loop3A_289 : vector<16xi32>
        %parallel_loop3A_291 = arith.select %parallel_loop3A_287, %parallel_loop3A_290, %xor3A_13 : vector<16xi1>, vector<16xi32>
        %parallel_loop3A_292 = vector.shape_cast %parallel_loop3A_291 : vector<16xi32> to vector<16x1xi32>
        %parallel_loop3A_293 = vector.shape_cast %parallel_loop3A_292 : vector<16x1xi32> to vector<16xi32>
        %parallel_loop3A_294 = tpu.dynamic_gather %parallel_loop3A_284[%parallel_loop3A_293] in [0] : vector<16xf32>, vector<16xi32> -> vector<16xf32>
        %parallel_loop3A_295 = arith.addf %parallel_loop3A_284, %parallel_loop3A_294 : vector<16xf32>
        %parallel_loop3A_296 = arith.constant 2.500000e-01 : f32
        %parallel_loop3A_297 = vector.broadcast %parallel_loop3A_296 : f32 to vector<16xf32>
        %parallel_loop3A_298 = arith.mulf %parallel_loop3A_295, %parallel_loop3A_297 : vector<16xf32>
        %parallel_loop3A_299 = arith.constant -5.000000e+00 : f32
        %parallel_loop3A_300 = arith.constant 5.000000e+00 : f32
        %parallel_loop3A_301 = vector.broadcast %parallel_loop3A_299 : f32 to vector<16xf32>
        %parallel_loop3A_302 = arith.maximumf %parallel_loop3A_301, %parallel_loop3A_298 : vector<16xf32>
        %parallel_loop3A_303 = vector.broadcast %parallel_loop3A_300 : f32 to vector<16xf32>
        %parallel_loop3A_304 = arith.minimumf %parallel_loop3A_303, %parallel_loop3A_302 : vector<16xf32>
        %parallel_loop3A_305 = math.exp %parallel_loop3A_304 : vector<16xf32>
        %parallel_loop3A_306 = arith.constant 0 : i32
        %parallel_loop3A_307 = vector.broadcast %parallel_loop3A_306 : i32 to vector<16xi32>
        %parallel_loop3A_308 = arith.cmpi slt, %broadcast_in_dim3A_37, %parallel_loop3A_307 : vector<16xi32>
        %parallel_loop3A_309 = arith.constant 16 : i32
        %parallel_loop3A_310 = vector.broadcast %parallel_loop3A_309 : i32 to vector<16xi32>
        %parallel_loop3A_311 = arith.addi %broadcast_in_dim3A_37, %parallel_loop3A_310 : vector<16xi32>
        %parallel_loop3A_312 = arith.select %parallel_loop3A_308, %parallel_loop3A_311, %broadcast_in_dim3A_37 : vector<16xi1>, vector<16xi32>
        %parallel_loop3A_313 = vector.shape_cast %parallel_loop3A_312 : vector<16xi32> to vector<16x1xi32>
        %parallel_loop3A_314 = vector.shape_cast %parallel_loop3A_313 : vector<16x1xi32> to vector<16xi32>
        %parallel_loop3A_315 = tpu.dynamic_gather %parallel_loop3A_305[%parallel_loop3A_314] in [0] : vector<16xf32>, vector<16xi32> -> vector<16xf32>
        %parallel_loop3A_316 = arith.mulf %parallel_loop3A_315, %parallel_loop3A_153 : vector<16xf32>
        %parallel_loop3A_317 = arith.index_cast %parallel_loop3A_139 : i32 to index
        %parallel_loop3A_318 = arith.constant 0 : index
        %parallel_loop3A_319 = tpu.vector_load %arg14[%parallel_loop3A_317, %parallel_loop3A_318] {strides = array<i32>} : memref<125x72xf32, #tpu.memory_space<vmem>>, vector<16xf32>,
        tpu.vector_store %arg14[%parallel_loop3A_317, %parallel_loop3A_318], %parallel_loop3A_316 {strides = array<i32>} : memref<125x72xf32, #tpu.memory_space<vmem>>, vector<16xf32>,
        %parallel_loop3A_320 = arith.constant 0 : i32
        %parallel_loop3A_321 = vector.broadcast %parallel_loop3A_320 : i32 to vector<16xi32>
        %parallel_loop3A_322 = arith.cmpi slt, %broadcast_in_dim3A_39, %parallel_loop3A_321 : vector<16xi32>
        %parallel_loop3A_323 = arith.constant 16 : i32
        %parallel_loop3A_324 = vector.broadcast %parallel_loop3A_323 : i32 to vector<16xi32>
        %parallel_loop3A_325 = arith.addi %broadcast_in_dim3A_39, %parallel_loop3A_324 : vector<16xi32>
        %parallel_loop3A_326 = arith.select %parallel_loop3A_322, %parallel_loop3A_325, %broadcast_in_dim3A_39 : vector<16xi1>, vector<16xi32>
        %parallel_loop3A_327 = vector.shape_cast %parallel_loop3A_326 : vector<16xi32> to vector<16x1xi32>
        %parallel_loop3A_328 = vector.shape_cast %parallel_loop3A_327 : vector<16x1xi32> to vector<16xi32>
        %parallel_loop3A_329 = tpu.dynamic_gather %parallel_loop3A_305[%parallel_loop3A_328] in [0] : vector<16xf32>, vector<16xi32> -> vector<16xf32>
        %parallel_loop3A_330 = arith.mulf %parallel_loop3A_329, %parallel_loop3A_154 : vector<16xf32>
        %parallel_loop3A_331 = arith.index_cast %parallel_loop3A_139 : i32 to index
        %parallel_loop3A_332 = arith.constant 16 : index
        %parallel_loop3A_333 = tpu.vector_load %arg14[%parallel_loop3A_331, %parallel_loop3A_332] {strides = array<i32>} : memref<125x72xf32, #tpu.memory_space<vmem>>, vector<16xf32>,
        tpu.vector_store %arg14[%parallel_loop3A_331, %parallel_loop3A_332], %parallel_loop3A_330 {strides = array<i32>} : memref<125x72xf32, #tpu.memory_space<vmem>>, vector<16xf32>,
        %parallel_loop3A_334 = arith.constant 0 : i32
        %parallel_loop3A_335 = vector.broadcast %parallel_loop3A_334 : i32 to vector<16xi32>
        %parallel_loop3A_336 = arith.cmpi slt, %broadcast_in_dim3A_41, %parallel_loop3A_335 : vector<16xi32>
        %parallel_loop3A_337 = arith.constant 16 : i32
        %parallel_loop3A_338 = vector.broadcast %parallel_loop3A_337 : i32 to vector<16xi32>
        %parallel_loop3A_339 = arith.addi %broadcast_in_dim3A_41, %parallel_loop3A_338 : vector<16xi32>
        %parallel_loop3A_340 = arith.select %parallel_loop3A_336, %parallel_loop3A_339, %broadcast_in_dim3A_41 : vector<16xi1>, vector<16xi32>
        %parallel_loop3A_341 = vector.shape_cast %parallel_loop3A_340 : vector<16xi32> to vector<16x1xi32>
        %parallel_loop3A_342 = vector.shape_cast %parallel_loop3A_341 : vector<16x1xi32> to vector<16xi32>
        %parallel_loop3A_343 = tpu.dynamic_gather %parallel_loop3A_305[%parallel_loop3A_342] in [0] : vector<16xf32>, vector<16xi32> -> vector<16xf32>
        %parallel_loop3A_344 = arith.mulf %parallel_loop3A_343, %parallel_loop3A_214 : vector<16xf32>
        %parallel_loop3A_345 = arith.index_cast %parallel_loop3A_139 : i32 to index
        %parallel_loop3A_346 = arith.constant 32 : index
        %parallel_loop3A_347 = tpu.vector_load %arg14[%parallel_loop3A_345, %parallel_loop3A_346] {strides = array<i32>} : memref<125x72xf32, #tpu.memory_space<vmem>>, vector<16xf32>,
        tpu.vector_store %arg14[%parallel_loop3A_345, %parallel_loop3A_346], %parallel_loop3A_344 {strides = array<i32>} : memref<125x72xf32, #tpu.memory_space<vmem>>, vector<16xf32>,
        %parallel_loop3A_348 = arith.constant 0 : i32
        %parallel_loop3A_349 = vector.broadcast %parallel_loop3A_348 : i32 to vector<16xi32>
        %parallel_loop3A_350 = arith.cmpi slt, %broadcast_in_dim3A_43, %parallel_loop3A_349 : vector<16xi32>
        %parallel_loop3A_351 = arith.constant 16 : i32
        %parallel_loop3A_352 = vector.broadcast %parallel_loop3A_351 : i32 to vector<16xi32>
        %parallel_loop3A_353 = arith.addi %broadcast_in_dim3A_43, %parallel_loop3A_352 : vector<16xi32>
        %parallel_loop3A_354 = arith.select %parallel_loop3A_350, %parallel_loop3A_353, %broadcast_in_dim3A_43 : vector<16xi1>, vector<16xi32>
        %parallel_loop3A_355 = vector.shape_cast %parallel_loop3A_354 : vector<16xi32> to vector<16x1xi32>
        %parallel_loop3A_356 = vector.shape_cast %parallel_loop3A_355 : vector<16x1xi32> to vector<16xi32>
        %parallel_loop3A_357 = tpu.dynamic_gather %parallel_loop3A_305[%parallel_loop3A_356] in [0] : vector<16xf32>, vector<16xi32> -> vector<16xf32>
        %parallel_loop3A_358 = arith.mulf %parallel_loop3A_357, %parallel_loop3A_215 : vector<16xf32>
        %parallel_loop3A_359 = arith.index_cast %parallel_loop3A_139 : i32 to index
        %parallel_loop3A_360 = arith.constant 48 : index
        %parallel_loop3A_361 = tpu.vector_load %arg14[%parallel_loop3A_359, %parallel_loop3A_360] {strides = array<i32>} : memref<125x72xf32, #tpu.memory_space<vmem>>, vector<16xf32>,
        tpu.vector_store %arg14[%parallel_loop3A_359, %parallel_loop3A_360], %parallel_loop3A_358 {strides = array<i32>} : memref<125x72xf32, #tpu.memory_space<vmem>>, vector<16xf32>,
        %parallel_loop3A_362 = arith.constant 4 : i32
        %parallel_loop3A_363 = vector.broadcast %parallel_loop3A_362 : i32 to vector<16xi32>
        %parallel_loop3A_364 = arith.cmpi slt, %iota3A, %parallel_loop3A_363 : vector<16xi32>
        %parallel_loop3A_365 = arith.constant 4 : i32
        %parallel_loop3A_366 = arith.constant 0 : i32
        %parallel_loop3A_367 = arith.cmpi eq, %parallel_loop3A_365, %parallel_loop3A_366 : i32
        %parallel_loop3A_368 = arith.constant 1 : i32
        %parallel_loop3A_369 = arith.select %parallel_loop3A_367, %parallel_loop3A_368, %parallel_loop3A_365 : i32
        %parallel_loop3A_370 = vector.broadcast %parallel_loop3A_369 : i32 to vector<16xi32>
        %parallel_loop3A_371 = arith.remsi %iota3A, %parallel_loop3A_370 : vector<16xi32>
        %parallel_loop3A_372 = arith.constant 0 : i32
        %parallel_loop3A_373 = vector.broadcast %parallel_loop3A_372 : i32 to vector<16xi32>
        %parallel_loop3A_374 = arith.cmpi ne, %parallel_loop3A_371, %parallel_loop3A_373 : vector<16xi32>
        %parallel_loop3A_375 = arith.constant 0 : i32
        %parallel_loop3A_376 = vector.broadcast %parallel_loop3A_375 : i32 to vector<16xi32>
        %parallel_loop3A_377 = arith.cmpi slt, %parallel_loop3A_371, %parallel_loop3A_376 : vector<16xi32>
        %parallel_loop3A_378 = arith.constant 0 : i32
        %parallel_loop3A_379 = arith.cmpi slt, %parallel_loop3A_369, %parallel_loop3A_378 : i32
        %parallel_loop3A_380 = vector.broadcast %parallel_loop3A_379 : i1 to vector<16xi1>
        %parallel_loop3A_381 = vector.broadcast %parallel_loop3A_380 : vector<16xi1> to vector<16xi1>
        %parallel_loop3A_382 = arith.xori %parallel_loop3A_377, %parallel_loop3A_381 : vector<16xi1>
        %parallel_loop3A_383 = arith.andi %parallel_loop3A_382, %parallel_loop3A_374 : vector<16xi1>
        %parallel_loop3A_384 = vector.broadcast %parallel_loop3A_369 : i32 to vector<16xi32>
        %parallel_loop3A_385 = arith.addi %parallel_loop3A_371, %parallel_loop3A_384 : vector<16xi32>
        %parallel_loop3A_386 = arith.select %parallel_loop3A_383, %parallel_loop3A_385, %parallel_loop3A_371 : vector<16xi1>, vector<16xi32>
        %parallel_loop3A_387 = arith.constant 4 : i32
        %parallel_loop3A_388 = vector.broadcast %parallel_loop3A_387 : i32 to vector<16xi32>
        %parallel_loop3A_389 = arith.muli %parallel_loop3A_386, %parallel_loop3A_388 : vector<16xi32>
        %parallel_loop3A_390 = arith.constant 0 : i32
        %parallel_loop3A_391 = vector.broadcast %parallel_loop3A_390 : i32 to vector<16xi32>
        %parallel_loop3A_392 = arith.cmpi slt, %parallel_loop3A_389, %parallel_loop3A_391 : vector<16xi32>
        %parallel_loop3A_393 = arith.constant 16 : i32
        %parallel_loop3A_394 = vector.broadcast %parallel_loop3A_393 : i32 to vector<16xi32>
        %parallel_loop3A_395 = arith.addi %parallel_loop3A_389, %parallel_loop3A_394 : vector<16xi32>
        %parallel_loop3A_396 = arith.select %parallel_loop3A_392, %parallel_loop3A_395, %parallel_loop3A_389 : vector<16xi1>, vector<16xi32>
        %parallel_loop3A_397 = vector.shape_cast %parallel_loop3A_396 : vector<16xi32> to vector<16x1xi32>
        %parallel_loop3A_398 = vector.shape_cast %parallel_loop3A_397 : vector<16x1xi32> to vector<16xi32>
        %parallel_loop3A_399 = tpu.dynamic_gather %parallel_loop3A_305[%parallel_loop3A_398] in [0] : vector<16xf32>, vector<16xi32> -> vector<16xf32>
        %parallel_loop3A_400 = arith.constant 0.000000e+00 : f32
        %parallel_loop3A_401 = vector.broadcast %parallel_loop3A_400 : f32 to vector<16xf32>
        %parallel_loop3A_402 = arith.select %parallel_loop3A_364, %parallel_loop3A_399, %parallel_loop3A_401 : vector<16xi1>, vector<16xf32>
        %parallel_loop3A_403 = vector.broadcast %parallel_loop3A_139 : i32 to vector<16xi32>
        %parallel_loop3A_404 = arith.constant 64 : i32
        %parallel_loop3A_405 = vector.broadcast %parallel_loop3A_404 : i32 to vector<16xi32>
        %parallel_loop3A_406 = arith.addi %parallel_loop3A_405, %iota3A : vector<16xi32>
        %parallel_loop3A_407 = arith.constant 8 : i32
        %parallel_loop3A_408 = vector.broadcast %parallel_loop3A_407 : i32 to vector<16xi32>
        %parallel_loop3A_409 = arith.cmpi slt, %iota3A, %parallel_loop3A_408 : vector<16xi32>
        tpu.vector_store_idx %arg14[%parallel_loop3A_403, %parallel_loop3A_406], %parallel_loop3A_402 masked %parallel_loop3A_409 : memref<125x72xf32, #tpu.memory_space<vmem>>[vector<16xi32>, vector<16xi32>], vector<16xf32>, vector<16xi1>
      } {sc.loop_unroll_factor = 1 : i64, sc.parallel_access}
      %dma_start3A = arith.constant 0 : i32
      %dma_start3A_100 = arith.constant 0 : i32
      %dma_start3A_101 = tpu.memref_slice %arg11[%mul3A_70, %dma_start3A, %dma_start3A_100] : memref<160x1x125xi32, #tpu.memory_space<vmem>> -> memref<1x1x125xi32, #tpu.memory_space<vmem>>
      %dma_start3A_102 = tpu.memref_squeeze %dma_start3A_101 : memref<1x1x125xi32, #tpu.memory_space<vmem>> -> memref<125xi32, #tpu.memory_space<vmem>>
      %dma_start3A_103 = arith.constant 0 : i32
      %dma_start3A_104 = arith.constant 0 : i32
      %dma_start3A_105 = tpu.memref_slice %arg18[%dma_start3A_103, %dma_start3A_104] : memref<10112x72xf32, #tpu.memory_space<vmem_shared>> -> memref<10112x72xf32, #tpu.memory_space<vmem_shared>>
      tpu.enqueue_indirect_dma source(%arg14 : memref<125x72xf32, #tpu.memory_space<vmem>>) target(%dma_start3A_105 : memref<10112x72xf32, #tpu.memory_space<vmem_shared>>) offsets(%dma_start3A_102 : memref<125xi32, #tpu.memory_space<vmem>>) semaphore(%arg23 : memref<!tpu.dma_semaphore, #tpu.memory_space<semaphore_mem>>) {add = true}
      %lt3A = arith.constant 79 : i32
      %lt3A_106 = arith.cmpi slt, %scan3A_68, %lt3A : i32
      %convert_element_type3A_107 = arith.extui %lt3A_106 : i1 to i32
      %cond3A_108 = arith.constant 0 : i32
      %cond3A_109 = arith.cmpi ne, %convert_element_type3A_107, %cond3A_108 : i32
      scf.if %cond3A_109 {
        %add3A_139 = arith.constant 2 : i32
        %add3A_140 = arith.addi %mul3A_70, %add3A_139 : i32
        %eq3A_141 = arith.constant 0 : i32
        %eq3A_142 = arith.cmpi eq, %arg0, %eq3A_141 : i32
        %convert_element_type3A_143 = arith.extui %eq3A_142 : i1 to i32
        %cond3A_144 = arith.constant 0 : i32
        %cond3A_145 = arith.cmpi ne, %convert_element_type3A_143, %cond3A_144 : i32
        scf.if %cond3A_145 {
          %dma_start3A_151 = arith.constant 0 : i32
          %dma_start3A_152 = arith.constant 0 : i32
          %dma_start3A_153 = tpu.memref_slice %arg11[%add3A_140, %dma_start3A_151, %dma_start3A_152] : memref<160x1x125xi32, #tpu.memory_space<vmem>> -> memref<1x1x125xi32, #tpu.memory_space<vmem>>
          %dma_start3A_154 = tpu.memref_squeeze %dma_start3A_153 : memref<1x1x125xi32, #tpu.memory_space<vmem>> -> memref<125xi32, #tpu.memory_space<vmem>>
          %dma_start3A_155 = arith.constant 0 : i32
          %dma_start3A_156 = arith.constant 0 : i32
          %dma_start3A_157 = tpu.memref_slice %arg4[%dma_start3A_155, %dma_start3A_156] : memref<10000x64xbf16, #tpu.memory_space<hbm>> -> memref<10000x64xbf16, #tpu.memory_space<hbm>>
          tpu.enqueue_indirect_dma source(%dma_start3A_157 : memref<10000x64xbf16, #tpu.memory_space<hbm>>) target(%arg12 : memref<125x64xbf16, #tpu.memory_space<vmem>>) offsets(%dma_start3A_154 : memref<125xi32, #tpu.memory_space<vmem>>) semaphore(%arg19 : memref<!tpu.dma_semaphore, #tpu.memory_space<semaphore_mem>>)
          %dma_start3A_158 = arith.constant 0 : i32
          %dma_start3A_159 = arith.constant 0 : i32
          %dma_start3A_160 = tpu.memref_slice %arg10[%add3A_140, %dma_start3A_158, %dma_start3A_159] : memref<160x1x125xi32, #tpu.memory_space<vmem>> -> memref<1x1x125xi32, #tpu.memory_space<vmem>>
          %dma_start3A_161 = tpu.memref_squeeze %dma_start3A_160 : memref<1x1x125xi32, #tpu.memory_space<vmem>> -> memref<125xi32, #tpu.memory_space<vmem>>
          %dma_start3A_162 = arith.constant 0 : i32
          %dma_start3A_163 = arith.constant 0 : i32
          %dma_start3A_164 = tpu.memref_slice %arg6[%dma_start3A_162, %dma_start3A_163] : memref<10000x128xbf16, #tpu.memory_space<hbm>> -> memref<10000x128xbf16, #tpu.memory_space<hbm>>
          tpu.enqueue_indirect_dma source(%dma_start3A_164 : memref<10000x128xbf16, #tpu.memory_space<hbm>>) target(%arg13 : memref<125x128xbf16, #tpu.memory_space<vmem>>) offsets(%dma_start3A_161 : memref<125xi32, #tpu.memory_space<vmem>>) semaphore(%arg20 : memref<!tpu.dma_semaphore, #tpu.memory_space<semaphore_mem>>)
        } else {
        }
        %eq3A_146 = arith.constant 1 : i32
        %eq3A_147 = arith.cmpi eq, %arg0, %eq3A_146 : i32
        %convert_element_type3A_148 = arith.extui %eq3A_147 : i1 to i32
        %cond3A_149 = arith.constant 0 : i32
        %cond3A_150 = arith.cmpi ne, %convert_element_type3A_148, %cond3A_149 : i32
        scf.if %cond3A_150 {
          %dma_start3A_151 = arith.constant 0 : i32
          %dma_start3A_152 = arith.constant 0 : i32
          %dma_start3A_153 = tpu.memref_slice %arg11[%add3A_140, %dma_start3A_151, %dma_start3A_152] : memref<160x1x125xi32, #tpu.memory_space<vmem>> -> memref<1x1x125xi32, #tpu.memory_space<vmem>>
          %dma_start3A_154 = tpu.memref_squeeze %dma_start3A_153 : memref<1x1x125xi32, #tpu.memory_space<vmem>> -> memref<125xi32, #tpu.memory_space<vmem>>
          %dma_start3A_155 = arith.constant 0 : i32
          %dma_start3A_156 = arith.constant 0 : i32
          %dma_start3A_157 = tpu.memref_slice %arg5[%dma_start3A_155, %dma_start3A_156] : memref<10000x64xbf16, #tpu.memory_space<hbm>> -> memref<10000x64xbf16, #tpu.memory_space<hbm>>
          tpu.enqueue_indirect_dma source(%dma_start3A_157 : memref<10000x64xbf16, #tpu.memory_space<hbm>>) target(%arg12 : memref<125x64xbf16, #tpu.memory_space<vmem>>) offsets(%dma_start3A_154 : memref<125xi32, #tpu.memory_space<vmem>>) semaphore(%arg19 : memref<!tpu.dma_semaphore, #tpu.memory_space<semaphore_mem>>)
          %dma_start3A_158 = arith.constant 0 : i32
          %dma_start3A_159 = arith.constant 0 : i32
          %dma_start3A_160 = tpu.memref_slice %arg10[%add3A_140, %dma_start3A_158, %dma_start3A_159] : memref<160x1x125xi32, #tpu.memory_space<vmem>> -> memref<1x1x125xi32, #tpu.memory_space<vmem>>
          %dma_start3A_161 = tpu.memref_squeeze %dma_start3A_160 : memref<1x1x125xi32, #tpu.memory_space<vmem>> -> memref<125xi32, #tpu.memory_space<vmem>>
          %dma_start3A_162 = arith.constant 0 : i32
          %dma_start3A_163 = arith.constant 0 : i32
          %dma_start3A_164 = tpu.memref_slice %arg7[%dma_start3A_162, %dma_start3A_163] : memref<10000x128xbf16, #tpu.memory_space<hbm>> -> memref<10000x128xbf16, #tpu.memory_space<hbm>>
          tpu.enqueue_indirect_dma source(%dma_start3A_164 : memref<10000x128xbf16, #tpu.memory_space<hbm>>) target(%arg13 : memref<125x128xbf16, #tpu.memory_space<vmem>>) offsets(%dma_start3A_161 : memref<125xi32, #tpu.memory_space<vmem>>) semaphore(%arg20 : memref<!tpu.dma_semaphore, #tpu.memory_space<semaphore_mem>>)
        } else {
        }
      } else {
      }
      %gt3A_110 = arith.constant 0 : i32
      %gt3A_111 = arith.cmpi sgt, %scan3A_68, %gt3A_110 : i32
      %convert_element_type3A_112 = arith.extui %gt3A_111 : i1 to i32
      %cond3A_113 = arith.constant 0 : i32
      %cond3A_114 = arith.cmpi ne, %convert_element_type3A_112, %cond3A_113 : i32
      scf.if %cond3A_114 {
        %dma_wait3A_139 = arith.constant 0 : i32
        %dma_wait3A_140 = arith.constant 0 : i32
        %dma_wait3A_141 = tpu.memref_slice %arg8[%dma_wait3A_139, %dma_wait3A_140] : memref<10112x72xf32, #tpu.memory_space<hbm>> -> memref<125x72xf32, #tpu.memory_space<hbm>>
        %dma_wait3A_142 = arith.constant 0 : i32
        %dma_wait3A_143 = arith.constant 0 : i32
        %dma_wait3A_144 = tpu.memref_slice %arg8[%dma_wait3A_142, %dma_wait3A_143] : memref<10112x72xf32, #tpu.memory_space<hbm>> -> memref<125x72xf32, #tpu.memory_space<hbm>>
        tpu.wait_dma2 semaphore(%arg24 : memref<!tpu.dma_semaphore, #tpu.memory_space<semaphore_mem>>) src(%dma_wait3A_144 : memref<125x72xf32, #tpu.memory_space<hbm>>) dst(%arg17 : memref<125x72xf32, #tpu.memory_space<vmem>>)
      } else {
      }
      %dma_wait3A_115 = arith.constant 0 : i32
      %dma_wait3A_116 = arith.constant 0 : i32
      %dma_wait3A_117 = tpu.memref_slice %arg4[%dma_wait3A_115, %dma_wait3A_116] : memref<10000x64xbf16, #tpu.memory_space<hbm>> -> memref<125x64xbf16, #tpu.memory_space<hbm>>
      %dma_wait3A_118 = arith.constant 0 : i32
      %dma_wait3A_119 = arith.constant 0 : i32
      %dma_wait3A_120 = tpu.memref_slice %arg4[%dma_wait3A_118, %dma_wait3A_119] : memref<10000x64xbf16, #tpu.memory_space<hbm>> -> memref<125x64xbf16, #tpu.memory_space<hbm>>
      tpu.wait_dma2 semaphore(%arg21 : memref<!tpu.dma_semaphore, #tpu.memory_space<semaphore_mem>>) src(%dma_wait3A_120 : memref<125x64xbf16, #tpu.memory_space<hbm>>) dst(%arg15 : memref<125x64xbf16, #tpu.memory_space<vmem>>)
      %dma_wait3A_121 = arith.constant 0 : i32
      %dma_wait3A_122 = arith.constant 0 : i32
      %dma_wait3A_123 = tpu.memref_slice %arg6[%dma_wait3A_121, %dma_wait3A_122] : memref<10000x128xbf16, #tpu.memory_space<hbm>> -> memref<125x128xbf16, #tpu.memory_space<hbm>>
      %dma_wait3A_124 = arith.constant 0 : i32
      %dma_wait3A_125 = arith.constant 0 : i32
      %dma_wait3A_126 = tpu.memref_slice %arg6[%dma_wait3A_124, %dma_wait3A_125] : memref<10000x128xbf16, #tpu.memory_space<hbm>> -> memref<125x128xbf16, #tpu.memory_space<hbm>>
      tpu.wait_dma2 semaphore(%arg22 : memref<!tpu.dma_semaphore, #tpu.memory_space<semaphore_mem>>) src(%dma_wait3A_126 : memref<125x128xbf16, #tpu.memory_space<hbm>>) dst(%arg16 : memref<125x128xbf16, #tpu.memory_space<vmem>>)
      %parallel_loop3A_127 = arith.constant 0 : i32
      %parallel_loop3A_128 = arith.constant 125 : i32
      %parallel_loop3A_129 = arith.constant 1 : i32
      scf.for %parallel_loop3A_139 = %parallel_loop3A_127 to %parallel_loop3A_128 step %parallel_loop3A_129  : i32 {
        %parallel_loop3A_140 = arith.index_cast %parallel_loop3A_139 : i32 to index
        %parallel_loop3A_141 = arith.constant 0 : index
        %parallel_loop3A_142 = tpu.vector_load %arg15[%parallel_loop3A_140, %parallel_loop3A_141] {strides = array<i32>} : memref<125x64xbf16, #tpu.memory_space<vmem>>, vector<32xbf16>,
        %parallel_loop3A_143 = tpu.unpack_subelements %parallel_loop3A_142, 0 {pack_format = #tpu.pack_format<interleaved>} : vector<32xbf16> -> vector<16xf32>
        %parallel_loop3A_144 = tpu.unpack_subelements %parallel_loop3A_142, 1 {pack_format = #tpu.pack_format<interleaved>} : vector<32xbf16> -> vector<16xf32>
        %parallel_loop3A_145 = arith.index_cast %parallel_loop3A_139 : i32 to index
        %parallel_loop3A_146 = arith.constant 0 : index
        %parallel_loop3A_147 = tpu.vector_load %arg16[%parallel_loop3A_145, %parallel_loop3A_146] {strides = array<i32>} : memref<125x128xbf16, #tpu.memory_space<vmem>>, vector<32xbf16>,
        %parallel_loop3A_148 = tpu.unpack_subelements %parallel_loop3A_147, 0 {pack_format = #tpu.pack_format<interleaved>} : vector<32xbf16> -> vector<16xf32>
        %parallel_loop3A_149 = tpu.unpack_subelements %parallel_loop3A_147, 1 {pack_format = #tpu.pack_format<interleaved>} : vector<32xbf16> -> vector<16xf32>
        %parallel_loop3A_150 = arith.index_cast %parallel_loop3A_139 : i32 to index
        %parallel_loop3A_151 = arith.constant 64 : index
        %parallel_loop3A_152 = tpu.vector_load %arg16[%parallel_loop3A_150, %parallel_loop3A_151] {strides = array<i32>} : memref<125x128xbf16, #tpu.memory_space<vmem>>, vector<32xbf16>,
        %parallel_loop3A_153 = tpu.unpack_subelements %parallel_loop3A_152, 0 {pack_format = #tpu.pack_format<interleaved>} : vector<32xbf16> -> vector<16xf32>
        %parallel_loop3A_154 = tpu.unpack_subelements %parallel_loop3A_152, 1 {pack_format = #tpu.pack_format<interleaved>} : vector<32xbf16> -> vector<16xf32>
        %parallel_loop3A_155 = arith.mulf %parallel_loop3A_143, %parallel_loop3A_148 : vector<16xf32>
        %parallel_loop3A_156 = arith.constant 0 : i32
        %parallel_loop3A_157 = vector.broadcast %parallel_loop3A_156 : i32 to vector<16xi32>
        %parallel_loop3A_158 = arith.cmpi slt, %xor3A_4, %parallel_loop3A_157 : vector<16xi32>
        %parallel_loop3A_159 = arith.constant 16 : i32
        %parallel_loop3A_160 = vector.broadcast %parallel_loop3A_159 : i32 to vector<16xi32>
        %parallel_loop3A_161 = arith.addi %xor3A_4, %parallel_loop3A_160 : vector<16xi32>
        %parallel_loop3A_162 = arith.select %parallel_loop3A_158, %parallel_loop3A_161, %xor3A_4 : vector<16xi1>, vector<16xi32>
        %parallel_loop3A_163 = vector.shape_cast %parallel_loop3A_162 : vector<16xi32> to vector<16x1xi32>
        %parallel_loop3A_164 = vector.shape_cast %parallel_loop3A_163 : vector<16x1xi32> to vector<16xi32>
        %parallel_loop3A_165 = tpu.dynamic_gather %parallel_loop3A_155[%parallel_loop3A_164] in [0] : vector<16xf32>, vector<16xi32> -> vector<16xf32>
        %parallel_loop3A_166 = arith.addf %parallel_loop3A_155, %parallel_loop3A_165 : vector<16xf32>
        %parallel_loop3A_167 = arith.constant 0 : i32
        %parallel_loop3A_168 = vector.broadcast %parallel_loop3A_167 : i32 to vector<16xi32>
        %parallel_loop3A_169 = arith.cmpi slt, %xor3A_7, %parallel_loop3A_168 : vector<16xi32>
        %parallel_loop3A_170 = arith.constant 16 : i32
        %parallel_loop3A_171 = vector.broadcast %parallel_loop3A_170 : i32 to vector<16xi32>
        %parallel_loop3A_172 = arith.addi %xor3A_7, %parallel_loop3A_171 : vector<16xi32>
        %parallel_loop3A_173 = arith.select %parallel_loop3A_169, %parallel_loop3A_172, %xor3A_7 : vector<16xi1>, vector<16xi32>
        %parallel_loop3A_174 = vector.shape_cast %parallel_loop3A_173 : vector<16xi32> to vector<16x1xi32>
        %parallel_loop3A_175 = vector.shape_cast %parallel_loop3A_174 : vector<16x1xi32> to vector<16xi32>
        %parallel_loop3A_176 = tpu.dynamic_gather %parallel_loop3A_166[%parallel_loop3A_175] in [0] : vector<16xf32>, vector<16xi32> -> vector<16xf32>
        %parallel_loop3A_177 = arith.addf %parallel_loop3A_166, %parallel_loop3A_176 : vector<16xf32>
        %parallel_loop3A_178 = arith.mulf %parallel_loop3A_144, %parallel_loop3A_149 : vector<16xf32>
        %parallel_loop3A_179 = arith.constant 0 : i32
        %parallel_loop3A_180 = vector.broadcast %parallel_loop3A_179 : i32 to vector<16xi32>
        %parallel_loop3A_181 = arith.cmpi slt, %xor3A_4, %parallel_loop3A_180 : vector<16xi32>
        %parallel_loop3A_182 = arith.constant 16 : i32
        %parallel_loop3A_183 = vector.broadcast %parallel_loop3A_182 : i32 to vector<16xi32>
        %parallel_loop3A_184 = arith.addi %xor3A_4, %parallel_loop3A_183 : vector<16xi32>
        %parallel_loop3A_185 = arith.select %parallel_loop3A_181, %parallel_loop3A_184, %xor3A_4 : vector<16xi1>, vector<16xi32>
        %parallel_loop3A_186 = vector.shape_cast %parallel_loop3A_185 : vector<16xi32> to vector<16x1xi32>
        %parallel_loop3A_187 = vector.shape_cast %parallel_loop3A_186 : vector<16x1xi32> to vector<16xi32>
        %parallel_loop3A_188 = tpu.dynamic_gather %parallel_loop3A_178[%parallel_loop3A_187] in [0] : vector<16xf32>, vector<16xi32> -> vector<16xf32>
        %parallel_loop3A_189 = arith.addf %parallel_loop3A_178, %parallel_loop3A_188 : vector<16xf32>
        %parallel_loop3A_190 = arith.constant 0 : i32
        %parallel_loop3A_191 = vector.broadcast %parallel_loop3A_190 : i32 to vector<16xi32>
        %parallel_loop3A_192 = arith.cmpi slt, %xor3A_7, %parallel_loop3A_191 : vector<16xi32>
        %parallel_loop3A_193 = arith.constant 16 : i32
        %parallel_loop3A_194 = vector.broadcast %parallel_loop3A_193 : i32 to vector<16xi32>
        %parallel_loop3A_195 = arith.addi %xor3A_7, %parallel_loop3A_194 : vector<16xi32>
        %parallel_loop3A_196 = arith.select %parallel_loop3A_192, %parallel_loop3A_195, %xor3A_7 : vector<16xi1>, vector<16xi32>
        %parallel_loop3A_197 = vector.shape_cast %parallel_loop3A_196 : vector<16xi32> to vector<16x1xi32>
        %parallel_loop3A_198 = vector.shape_cast %parallel_loop3A_197 : vector<16x1xi32> to vector<16xi32>
        %parallel_loop3A_199 = tpu.dynamic_gather %parallel_loop3A_189[%parallel_loop3A_198] in [0] : vector<16xf32>, vector<16xi32> -> vector<16xf32>
        %parallel_loop3A_200 = arith.addf %parallel_loop3A_189, %parallel_loop3A_199 : vector<16xf32>
        %parallel_loop3A_201 = arith.index_cast %parallel_loop3A_139 : i32 to index
        %parallel_loop3A_202 = arith.constant 32 : index
        %parallel_loop3A_203 = tpu.vector_load %arg15[%parallel_loop3A_201, %parallel_loop3A_202] {strides = array<i32>} : memref<125x64xbf16, #tpu.memory_space<vmem>>, vector<32xbf16>,
        %parallel_loop3A_204 = tpu.unpack_subelements %parallel_loop3A_203, 0 {pack_format = #tpu.pack_format<interleaved>} : vector<32xbf16> -> vector<16xf32>
        %parallel_loop3A_205 = tpu.unpack_subelements %parallel_loop3A_203, 1 {pack_format = #tpu.pack_format<interleaved>} : vector<32xbf16> -> vector<16xf32>
        %parallel_loop3A_206 = arith.index_cast %parallel_loop3A_139 : i32 to index
        %parallel_loop3A_207 = arith.constant 32 : index
        %parallel_loop3A_208 = tpu.vector_load %arg16[%parallel_loop3A_206, %parallel_loop3A_207] {strides = array<i32>} : memref<125x128xbf16, #tpu.memory_space<vmem>>, vector<32xbf16>,
        %parallel_loop3A_209 = tpu.unpack_subelements %parallel_loop3A_208, 0 {pack_format = #tpu.pack_format<interleaved>} : vector<32xbf16> -> vector<16xf32>
        %parallel_loop3A_210 = tpu.unpack_subelements %parallel_loop3A_208, 1 {pack_format = #tpu.pack_format<interleaved>} : vector<32xbf16> -> vector<16xf32>
        %parallel_loop3A_211 = arith.index_cast %parallel_loop3A_139 : i32 to index
        %parallel_loop3A_212 = arith.constant 96 : index
        %parallel_loop3A_213 = tpu.vector_load %arg16[%parallel_loop3A_211, %parallel_loop3A_212] {strides = array<i32>} : memref<125x128xbf16, #tpu.memory_space<vmem>>, vector<32xbf16>,
        %parallel_loop3A_214 = tpu.unpack_subelements %parallel_loop3A_213, 0 {pack_format = #tpu.pack_format<interleaved>} : vector<32xbf16> -> vector<16xf32>
        %parallel_loop3A_215 = tpu.unpack_subelements %parallel_loop3A_213, 1 {pack_format = #tpu.pack_format<interleaved>} : vector<32xbf16> -> vector<16xf32>
        %parallel_loop3A_216 = arith.mulf %parallel_loop3A_204, %parallel_loop3A_209 : vector<16xf32>
        %parallel_loop3A_217 = arith.constant 0 : i32
        %parallel_loop3A_218 = vector.broadcast %parallel_loop3A_217 : i32 to vector<16xi32>
        %parallel_loop3A_219 = arith.cmpi slt, %xor3A_4, %parallel_loop3A_218 : vector<16xi32>
        %parallel_loop3A_220 = arith.constant 16 : i32
        %parallel_loop3A_221 = vector.broadcast %parallel_loop3A_220 : i32 to vector<16xi32>
        %parallel_loop3A_222 = arith.addi %xor3A_4, %parallel_loop3A_221 : vector<16xi32>
        %parallel_loop3A_223 = arith.select %parallel_loop3A_219, %parallel_loop3A_222, %xor3A_4 : vector<16xi1>, vector<16xi32>
        %parallel_loop3A_224 = vector.shape_cast %parallel_loop3A_223 : vector<16xi32> to vector<16x1xi32>
        %parallel_loop3A_225 = vector.shape_cast %parallel_loop3A_224 : vector<16x1xi32> to vector<16xi32>
        %parallel_loop3A_226 = tpu.dynamic_gather %parallel_loop3A_216[%parallel_loop3A_225] in [0] : vector<16xf32>, vector<16xi32> -> vector<16xf32>
        %parallel_loop3A_227 = arith.addf %parallel_loop3A_216, %parallel_loop3A_226 : vector<16xf32>
        %parallel_loop3A_228 = arith.constant 0 : i32
        %parallel_loop3A_229 = vector.broadcast %parallel_loop3A_228 : i32 to vector<16xi32>
        %parallel_loop3A_230 = arith.cmpi slt, %xor3A_7, %parallel_loop3A_229 : vector<16xi32>
        %parallel_loop3A_231 = arith.constant 16 : i32
        %parallel_loop3A_232 = vector.broadcast %parallel_loop3A_231 : i32 to vector<16xi32>
        %parallel_loop3A_233 = arith.addi %xor3A_7, %parallel_loop3A_232 : vector<16xi32>
        %parallel_loop3A_234 = arith.select %parallel_loop3A_230, %parallel_loop3A_233, %xor3A_7 : vector<16xi1>, vector<16xi32>
        %parallel_loop3A_235 = vector.shape_cast %parallel_loop3A_234 : vector<16xi32> to vector<16x1xi32>
        %parallel_loop3A_236 = vector.shape_cast %parallel_loop3A_235 : vector<16x1xi32> to vector<16xi32>
        %parallel_loop3A_237 = tpu.dynamic_gather %parallel_loop3A_227[%parallel_loop3A_236] in [0] : vector<16xf32>, vector<16xi32> -> vector<16xf32>
        %parallel_loop3A_238 = arith.addf %parallel_loop3A_227, %parallel_loop3A_237 : vector<16xf32>
        %parallel_loop3A_239 = arith.mulf %parallel_loop3A_205, %parallel_loop3A_210 : vector<16xf32>
        %parallel_loop3A_240 = arith.constant 0 : i32
        %parallel_loop3A_241 = vector.broadcast %parallel_loop3A_240 : i32 to vector<16xi32>
        %parallel_loop3A_242 = arith.cmpi slt, %xor3A_4, %parallel_loop3A_241 : vector<16xi32>
        %parallel_loop3A_243 = arith.constant 16 : i32
        %parallel_loop3A_244 = vector.broadcast %parallel_loop3A_243 : i32 to vector<16xi32>
        %parallel_loop3A_245 = arith.addi %xor3A_4, %parallel_loop3A_244 : vector<16xi32>
        %parallel_loop3A_246 = arith.select %parallel_loop3A_242, %parallel_loop3A_245, %xor3A_4 : vector<16xi1>, vector<16xi32>
        %parallel_loop3A_247 = vector.shape_cast %parallel_loop3A_246 : vector<16xi32> to vector<16x1xi32>
        %parallel_loop3A_248 = vector.shape_cast %parallel_loop3A_247 : vector<16x1xi32> to vector<16xi32>
        %parallel_loop3A_249 = tpu.dynamic_gather %parallel_loop3A_239[%parallel_loop3A_248] in [0] : vector<16xf32>, vector<16xi32> -> vector<16xf32>
        %parallel_loop3A_250 = arith.addf %parallel_loop3A_239, %parallel_loop3A_249 : vector<16xf32>
        %parallel_loop3A_251 = arith.constant 0 : i32
        %parallel_loop3A_252 = vector.broadcast %parallel_loop3A_251 : i32 to vector<16xi32>
        %parallel_loop3A_253 = arith.cmpi slt, %xor3A_7, %parallel_loop3A_252 : vector<16xi32>
        %parallel_loop3A_254 = arith.constant 16 : i32
        %parallel_loop3A_255 = vector.broadcast %parallel_loop3A_254 : i32 to vector<16xi32>
        %parallel_loop3A_256 = arith.addi %xor3A_7, %parallel_loop3A_255 : vector<16xi32>
        %parallel_loop3A_257 = arith.select %parallel_loop3A_253, %parallel_loop3A_256, %xor3A_7 : vector<16xi1>, vector<16xi32>
        %parallel_loop3A_258 = vector.shape_cast %parallel_loop3A_257 : vector<16xi32> to vector<16x1xi32>
        %parallel_loop3A_259 = vector.shape_cast %parallel_loop3A_258 : vector<16x1xi32> to vector<16xi32>
        %parallel_loop3A_260 = tpu.dynamic_gather %parallel_loop3A_250[%parallel_loop3A_259] in [0] : vector<16xf32>, vector<16xi32> -> vector<16xf32>
        %parallel_loop3A_261 = arith.addf %parallel_loop3A_250, %parallel_loop3A_260 : vector<16xf32>
        %parallel_loop3A_262 = arith.constant 1 : i32
        %parallel_loop3A_263 = vector.broadcast %parallel_loop3A_262 : i32 to vector<16xi32>
        %parallel_loop3A_264 = arith.cmpi eq, %select_n3A, %parallel_loop3A_263 : vector<16xi32>
        %parallel_loop3A_265 = arith.select %parallel_loop3A_264, %parallel_loop3A_200, %parallel_loop3A_177 : vector<16xi1>, vector<16xf32>
        %parallel_loop3A_266 = arith.constant 2 : i32
        %parallel_loop3A_267 = vector.broadcast %parallel_loop3A_266 : i32 to vector<16xi32>
        %parallel_loop3A_268 = arith.cmpi eq, %select_n3A, %parallel_loop3A_267 : vector<16xi32>
        %parallel_loop3A_269 = arith.select %parallel_loop3A_268, %parallel_loop3A_238, %parallel_loop3A_265 : vector<16xi1>, vector<16xf32>
        %parallel_loop3A_270 = arith.constant 3 : i32
        %parallel_loop3A_271 = vector.broadcast %parallel_loop3A_270 : i32 to vector<16xi32>
        %parallel_loop3A_272 = arith.cmpi eq, %select_n3A, %parallel_loop3A_271 : vector<16xi32>
        %parallel_loop3A_273 = arith.select %parallel_loop3A_272, %parallel_loop3A_261, %parallel_loop3A_269 : vector<16xi1>, vector<16xf32>
        %parallel_loop3A_274 = arith.constant 0 : i32
        %parallel_loop3A_275 = vector.broadcast %parallel_loop3A_274 : i32 to vector<16xi32>
        %parallel_loop3A_276 = arith.cmpi slt, %xor3A_10, %parallel_loop3A_275 : vector<16xi32>
        %parallel_loop3A_277 = arith.constant 16 : i32
        %parallel_loop3A_278 = vector.broadcast %parallel_loop3A_277 : i32 to vector<16xi32>
        %parallel_loop3A_279 = arith.addi %xor3A_10, %parallel_loop3A_278 : vector<16xi32>
        %parallel_loop3A_280 = arith.select %parallel_loop3A_276, %parallel_loop3A_279, %xor3A_10 : vector<16xi1>, vector<16xi32>
        %parallel_loop3A_281 = vector.shape_cast %parallel_loop3A_280 : vector<16xi32> to vector<16x1xi32>
        %parallel_loop3A_282 = vector.shape_cast %parallel_loop3A_281 : vector<16x1xi32> to vector<16xi32>
        %parallel_loop3A_283 = tpu.dynamic_gather %parallel_loop3A_273[%parallel_loop3A_282] in [0] : vector<16xf32>, vector<16xi32> -> vector<16xf32>
        %parallel_loop3A_284 = arith.addf %parallel_loop3A_273, %parallel_loop3A_283 : vector<16xf32>
        %parallel_loop3A_285 = arith.constant 0 : i32
        %parallel_loop3A_286 = vector.broadcast %parallel_loop3A_285 : i32 to vector<16xi32>
        %parallel_loop3A_287 = arith.cmpi slt, %xor3A_13, %parallel_loop3A_286 : vector<16xi32>
        %parallel_loop3A_288 = arith.constant 16 : i32
        %parallel_loop3A_289 = vector.broadcast %parallel_loop3A_288 : i32 to vector<16xi32>
        %parallel_loop3A_290 = arith.addi %xor3A_13, %parallel_loop3A_289 : vector<16xi32>
        %parallel_loop3A_291 = arith.select %parallel_loop3A_287, %parallel_loop3A_290, %xor3A_13 : vector<16xi1>, vector<16xi32>
        %parallel_loop3A_292 = vector.shape_cast %parallel_loop3A_291 : vector<16xi32> to vector<16x1xi32>
        %parallel_loop3A_293 = vector.shape_cast %parallel_loop3A_292 : vector<16x1xi32> to vector<16xi32>
        %parallel_loop3A_294 = tpu.dynamic_gather %parallel_loop3A_284[%parallel_loop3A_293] in [0] : vector<16xf32>, vector<16xi32> -> vector<16xf32>
        %parallel_loop3A_295 = arith.addf %parallel_loop3A_284, %parallel_loop3A_294 : vector<16xf32>
        %parallel_loop3A_296 = arith.constant 2.500000e-01 : f32
        %parallel_loop3A_297 = vector.broadcast %parallel_loop3A_296 : f32 to vector<16xf32>
        %parallel_loop3A_298 = arith.mulf %parallel_loop3A_295, %parallel_loop3A_297 : vector<16xf32>
        %parallel_loop3A_299 = arith.constant -5.000000e+00 : f32
        %parallel_loop3A_300 = arith.constant 5.000000e+00 : f32
        %parallel_loop3A_301 = vector.broadcast %parallel_loop3A_299 : f32 to vector<16xf32>
        %parallel_loop3A_302 = arith.maximumf %parallel_loop3A_301, %parallel_loop3A_298 : vector<16xf32>
        %parallel_loop3A_303 = vector.broadcast %parallel_loop3A_300 : f32 to vector<16xf32>
        %parallel_loop3A_304 = arith.minimumf %parallel_loop3A_303, %parallel_loop3A_302 : vector<16xf32>
        %parallel_loop3A_305 = math.exp %parallel_loop3A_304 : vector<16xf32>
        %parallel_loop3A_306 = arith.constant 0 : i32
        %parallel_loop3A_307 = vector.broadcast %parallel_loop3A_306 : i32 to vector<16xi32>
        %parallel_loop3A_308 = arith.cmpi slt, %broadcast_in_dim3A_37, %parallel_loop3A_307 : vector<16xi32>
        %parallel_loop3A_309 = arith.constant 16 : i32
        %parallel_loop3A_310 = vector.broadcast %parallel_loop3A_309 : i32 to vector<16xi32>
        %parallel_loop3A_311 = arith.addi %broadcast_in_dim3A_37, %parallel_loop3A_310 : vector<16xi32>
        %parallel_loop3A_312 = arith.select %parallel_loop3A_308, %parallel_loop3A_311, %broadcast_in_dim3A_37 : vector<16xi1>, vector<16xi32>
        %parallel_loop3A_313 = vector.shape_cast %parallel_loop3A_312 : vector<16xi32> to vector<16x1xi32>
        %parallel_loop3A_314 = vector.shape_cast %parallel_loop3A_313 : vector<16x1xi32> to vector<16xi32>
        %parallel_loop3A_315 = tpu.dynamic_gather %parallel_loop3A_305[%parallel_loop3A_314] in [0] : vector<16xf32>, vector<16xi32> -> vector<16xf32>
        %parallel_loop3A_316 = arith.mulf %parallel_loop3A_315, %parallel_loop3A_153 : vector<16xf32>
        %parallel_loop3A_317 = arith.index_cast %parallel_loop3A_139 : i32 to index
        %parallel_loop3A_318 = arith.constant 0 : index
        %parallel_loop3A_319 = tpu.vector_load %arg17[%parallel_loop3A_317, %parallel_loop3A_318] {strides = array<i32>} : memref<125x72xf32, #tpu.memory_space<vmem>>, vector<16xf32>,
        tpu.vector_store %arg17[%parallel_loop3A_317, %parallel_loop3A_318], %parallel_loop3A_316 {strides = array<i32>} : memref<125x72xf32, #tpu.memory_space<vmem>>, vector<16xf32>,
        %parallel_loop3A_320 = arith.constant 0 : i32
        %parallel_loop3A_321 = vector.broadcast %parallel_loop3A_320 : i32 to vector<16xi32>
        %parallel_loop3A_322 = arith.cmpi slt, %broadcast_in_dim3A_39, %parallel_loop3A_321 : vector<16xi32>
        %parallel_loop3A_323 = arith.constant 16 : i32
        %parallel_loop3A_324 = vector.broadcast %parallel_loop3A_323 : i32 to vector<16xi32>
        %parallel_loop3A_325 = arith.addi %broadcast_in_dim3A_39, %parallel_loop3A_324 : vector<16xi32>
        %parallel_loop3A_326 = arith.select %parallel_loop3A_322, %parallel_loop3A_325, %broadcast_in_dim3A_39 : vector<16xi1>, vector<16xi32>
        %parallel_loop3A_327 = vector.shape_cast %parallel_loop3A_326 : vector<16xi32> to vector<16x1xi32>
        %parallel_loop3A_328 = vector.shape_cast %parallel_loop3A_327 : vector<16x1xi32> to vector<16xi32>
        %parallel_loop3A_329 = tpu.dynamic_gather %parallel_loop3A_305[%parallel_loop3A_328] in [0] : vector<16xf32>, vector<16xi32> -> vector<16xf32>
        %parallel_loop3A_330 = arith.mulf %parallel_loop3A_329, %parallel_loop3A_154 : vector<16xf32>
        %parallel_loop3A_331 = arith.index_cast %parallel_loop3A_139 : i32 to index
        %parallel_loop3A_332 = arith.constant 16 : index
        %parallel_loop3A_333 = tpu.vector_load %arg17[%parallel_loop3A_331, %parallel_loop3A_332] {strides = array<i32>} : memref<125x72xf32, #tpu.memory_space<vmem>>, vector<16xf32>,
        tpu.vector_store %arg17[%parallel_loop3A_331, %parallel_loop3A_332], %parallel_loop3A_330 {strides = array<i32>} : memref<125x72xf32, #tpu.memory_space<vmem>>, vector<16xf32>,
        %parallel_loop3A_334 = arith.constant 0 : i32
        %parallel_loop3A_335 = vector.broadcast %parallel_loop3A_334 : i32 to vector<16xi32>
        %parallel_loop3A_336 = arith.cmpi slt, %broadcast_in_dim3A_41, %parallel_loop3A_335 : vector<16xi32>
        %parallel_loop3A_337 = arith.constant 16 : i32
        %parallel_loop3A_338 = vector.broadcast %parallel_loop3A_337 : i32 to vector<16xi32>
        %parallel_loop3A_339 = arith.addi %broadcast_in_dim3A_41, %parallel_loop3A_338 : vector<16xi32>
        %parallel_loop3A_340 = arith.select %parallel_loop3A_336, %parallel_loop3A_339, %broadcast_in_dim3A_41 : vector<16xi1>, vector<16xi32>
        %parallel_loop3A_341 = vector.shape_cast %parallel_loop3A_340 : vector<16xi32> to vector<16x1xi32>
        %parallel_loop3A_342 = vector.shape_cast %parallel_loop3A_341 : vector<16x1xi32> to vector<16xi32>
        %parallel_loop3A_343 = tpu.dynamic_gather %parallel_loop3A_305[%parallel_loop3A_342] in [0] : vector<16xf32>, vector<16xi32> -> vector<16xf32>
        %parallel_loop3A_344 = arith.mulf %parallel_loop3A_343, %parallel_loop3A_214 : vector<16xf32>
        %parallel_loop3A_345 = arith.index_cast %parallel_loop3A_139 : i32 to index
        %parallel_loop3A_346 = arith.constant 32 : index
        %parallel_loop3A_347 = tpu.vector_load %arg17[%parallel_loop3A_345, %parallel_loop3A_346] {strides = array<i32>} : memref<125x72xf32, #tpu.memory_space<vmem>>, vector<16xf32>,
        tpu.vector_store %arg17[%parallel_loop3A_345, %parallel_loop3A_346], %parallel_loop3A_344 {strides = array<i32>} : memref<125x72xf32, #tpu.memory_space<vmem>>, vector<16xf32>,
        %parallel_loop3A_348 = arith.constant 0 : i32
        %parallel_loop3A_349 = vector.broadcast %parallel_loop3A_348 : i32 to vector<16xi32>
        %parallel_loop3A_350 = arith.cmpi slt, %broadcast_in_dim3A_43, %parallel_loop3A_349 : vector<16xi32>
        %parallel_loop3A_351 = arith.constant 16 : i32
        %parallel_loop3A_352 = vector.broadcast %parallel_loop3A_351 : i32 to vector<16xi32>
        %parallel_loop3A_353 = arith.addi %broadcast_in_dim3A_43, %parallel_loop3A_352 : vector<16xi32>
        %parallel_loop3A_354 = arith.select %parallel_loop3A_350, %parallel_loop3A_353, %broadcast_in_dim3A_43 : vector<16xi1>, vector<16xi32>
        %parallel_loop3A_355 = vector.shape_cast %parallel_loop3A_354 : vector<16xi32> to vector<16x1xi32>
        %parallel_loop3A_356 = vector.shape_cast %parallel_loop3A_355 : vector<16x1xi32> to vector<16xi32>
        %parallel_loop3A_357 = tpu.dynamic_gather %parallel_loop3A_305[%parallel_loop3A_356] in [0] : vector<16xf32>, vector<16xi32> -> vector<16xf32>
        %parallel_loop3A_358 = arith.mulf %parallel_loop3A_357, %parallel_loop3A_215 : vector<16xf32>
        %parallel_loop3A_359 = arith.index_cast %parallel_loop3A_139 : i32 to index
        %parallel_loop3A_360 = arith.constant 48 : index
        %parallel_loop3A_361 = tpu.vector_load %arg17[%parallel_loop3A_359, %parallel_loop3A_360] {strides = array<i32>} : memref<125x72xf32, #tpu.memory_space<vmem>>, vector<16xf32>,
        tpu.vector_store %arg17[%parallel_loop3A_359, %parallel_loop3A_360], %parallel_loop3A_358 {strides = array<i32>} : memref<125x72xf32, #tpu.memory_space<vmem>>, vector<16xf32>,
        %parallel_loop3A_362 = arith.constant 4 : i32
        %parallel_loop3A_363 = vector.broadcast %parallel_loop3A_362 : i32 to vector<16xi32>
        %parallel_loop3A_364 = arith.cmpi slt, %iota3A, %parallel_loop3A_363 : vector<16xi32>
        %parallel_loop3A_365 = arith.constant 4 : i32
        %parallel_loop3A_366 = arith.constant 0 : i32
        %parallel_loop3A_367 = arith.cmpi eq, %parallel_loop3A_365, %parallel_loop3A_366 : i32
        %parallel_loop3A_368 = arith.constant 1 : i32
        %parallel_loop3A_369 = arith.select %parallel_loop3A_367, %parallel_loop3A_368, %parallel_loop3A_365 : i32
        %parallel_loop3A_370 = vector.broadcast %parallel_loop3A_369 : i32 to vector<16xi32>
        %parallel_loop3A_371 = arith.remsi %iota3A, %parallel_loop3A_370 : vector<16xi32>
        %parallel_loop3A_372 = arith.constant 0 : i32
        %parallel_loop3A_373 = vector.broadcast %parallel_loop3A_372 : i32 to vector<16xi32>
        %parallel_loop3A_374 = arith.cmpi ne, %parallel_loop3A_371, %parallel_loop3A_373 : vector<16xi32>
        %parallel_loop3A_375 = arith.constant 0 : i32
        %parallel_loop3A_376 = vector.broadcast %parallel_loop3A_375 : i32 to vector<16xi32>
        %parallel_loop3A_377 = arith.cmpi slt, %parallel_loop3A_371, %parallel_loop3A_376 : vector<16xi32>
        %parallel_loop3A_378 = arith.constant 0 : i32
        %parallel_loop3A_379 = arith.cmpi slt, %parallel_loop3A_369, %parallel_loop3A_378 : i32
        %parallel_loop3A_380 = vector.broadcast %parallel_loop3A_379 : i1 to vector<16xi1>
        %parallel_loop3A_381 = vector.broadcast %parallel_loop3A_380 : vector<16xi1> to vector<16xi1>
        %parallel_loop3A_382 = arith.xori %parallel_loop3A_377, %parallel_loop3A_381 : vector<16xi1>
        %parallel_loop3A_383 = arith.andi %parallel_loop3A_382, %parallel_loop3A_374 : vector<16xi1>
        %parallel_loop3A_384 = vector.broadcast %parallel_loop3A_369 : i32 to vector<16xi32>
        %parallel_loop3A_385 = arith.addi %parallel_loop3A_371, %parallel_loop3A_384 : vector<16xi32>
        %parallel_loop3A_386 = arith.select %parallel_loop3A_383, %parallel_loop3A_385, %parallel_loop3A_371 : vector<16xi1>, vector<16xi32>
        %parallel_loop3A_387 = arith.constant 4 : i32
        %parallel_loop3A_388 = vector.broadcast %parallel_loop3A_387 : i32 to vector<16xi32>
        %parallel_loop3A_389 = arith.muli %parallel_loop3A_386, %parallel_loop3A_388 : vector<16xi32>
        %parallel_loop3A_390 = arith.constant 0 : i32
        %parallel_loop3A_391 = vector.broadcast %parallel_loop3A_390 : i32 to vector<16xi32>
        %parallel_loop3A_392 = arith.cmpi slt, %parallel_loop3A_389, %parallel_loop3A_391 : vector<16xi32>
        %parallel_loop3A_393 = arith.constant 16 : i32
        %parallel_loop3A_394 = vector.broadcast %parallel_loop3A_393 : i32 to vector<16xi32>
        %parallel_loop3A_395 = arith.addi %parallel_loop3A_389, %parallel_loop3A_394 : vector<16xi32>
        %parallel_loop3A_396 = arith.select %parallel_loop3A_392, %parallel_loop3A_395, %parallel_loop3A_389 : vector<16xi1>, vector<16xi32>
        %parallel_loop3A_397 = vector.shape_cast %parallel_loop3A_396 : vector<16xi32> to vector<16x1xi32>
        %parallel_loop3A_398 = vector.shape_cast %parallel_loop3A_397 : vector<16x1xi32> to vector<16xi32>
        %parallel_loop3A_399 = tpu.dynamic_gather %parallel_loop3A_305[%parallel_loop3A_398] in [0] : vector<16xf32>, vector<16xi32> -> vector<16xf32>
        %parallel_loop3A_400 = arith.constant 0.000000e+00 : f32
        %parallel_loop3A_401 = vector.broadcast %parallel_loop3A_400 : f32 to vector<16xf32>
        %parallel_loop3A_402 = arith.select %parallel_loop3A_364, %parallel_loop3A_399, %parallel_loop3A_401 : vector<16xi1>, vector<16xf32>
        %parallel_loop3A_403 = vector.broadcast %parallel_loop3A_139 : i32 to vector<16xi32>
        %parallel_loop3A_404 = arith.constant 64 : i32
        %parallel_loop3A_405 = vector.broadcast %parallel_loop3A_404 : i32 to vector<16xi32>
        %parallel_loop3A_406 = arith.addi %parallel_loop3A_405, %iota3A : vector<16xi32>
        %parallel_loop3A_407 = arith.constant 8 : i32
        %parallel_loop3A_408 = vector.broadcast %parallel_loop3A_407 : i32 to vector<16xi32>
        %parallel_loop3A_409 = arith.cmpi slt, %iota3A, %parallel_loop3A_408 : vector<16xi32>
        tpu.vector_store_idx %arg17[%parallel_loop3A_403, %parallel_loop3A_406], %parallel_loop3A_402 masked %parallel_loop3A_409 : memref<125x72xf32, #tpu.memory_space<vmem>>[vector<16xi32>, vector<16xi32>], vector<16xf32>, vector<16xi1>
      } {sc.loop_unroll_factor = 1 : i64, sc.parallel_access}
      %add3A_130 = arith.constant 1 : i32
      %add3A_131 = arith.addi %mul3A_70, %add3A_130 : i32
      %dma_start3A_132 = arith.constant 0 : i32
      %dma_start3A_133 = arith.constant 0 : i32
      %dma_start3A_134 = tpu.memref_slice %arg11[%add3A_131, %dma_start3A_132, %dma_start3A_133] : memref<160x1x125xi32, #tpu.memory_space<vmem>> -> memref<1x1x125xi32, #tpu.memory_space<vmem>>
      %dma_start3A_135 = tpu.memref_squeeze %dma_start3A_134 : memref<1x1x125xi32, #tpu.memory_space<vmem>> -> memref<125xi32, #tpu.memory_space<vmem>>
      %dma_start3A_136 = arith.constant 0 : i32
      %dma_start3A_137 = arith.constant 0 : i32
      %dma_start3A_138 = tpu.memref_slice %arg18[%dma_start3A_136, %dma_start3A_137] : memref<10112x72xf32, #tpu.memory_space<vmem_shared>> -> memref<10112x72xf32, #tpu.memory_space<vmem_shared>>
      tpu.enqueue_indirect_dma source(%arg17 : memref<125x72xf32, #tpu.memory_space<vmem>>) target(%dma_start3A_138 : memref<10112x72xf32, #tpu.memory_space<vmem_shared>>) offsets(%dma_start3A_135 : memref<125xi32, #tpu.memory_space<vmem>>) semaphore(%arg24 : memref<!tpu.dma_semaphore, #tpu.memory_space<semaphore_mem>>) {add = true}
    }
    %scan3A_55 = arith.constant 80 : i32
    %dma_wait3A = arith.constant 0 : i32
    %dma_wait3A_56 = arith.constant 0 : i32
    %dma_wait3A_57 = tpu.memref_slice %arg8[%dma_wait3A, %dma_wait3A_56] : memref<10112x72xf32, #tpu.memory_space<hbm>> -> memref<125x72xf32, #tpu.memory_space<hbm>>
    %dma_wait3A_58 = arith.constant 0 : i32
    %dma_wait3A_59 = arith.constant 0 : i32
    %dma_wait3A_60 = tpu.memref_slice %arg8[%dma_wait3A_58, %dma_wait3A_59] : memref<10112x72xf32, #tpu.memory_space<hbm>> -> memref<125x72xf32, #tpu.memory_space<hbm>>
    tpu.wait_dma2 semaphore(%arg23 : memref<!tpu.dma_semaphore, #tpu.memory_space<semaphore_mem>>) src(%dma_wait3A_60 : memref<125x72xf32, #tpu.memory_space<hbm>>) dst(%arg14 : memref<125x72xf32, #tpu.memory_space<vmem>>)
    %dma_wait3A_61 = arith.constant 0 : i32
    %dma_wait3A_62 = arith.constant 0 : i32
    %dma_wait3A_63 = tpu.memref_slice %arg8[%dma_wait3A_61, %dma_wait3A_62] : memref<10112x72xf32, #tpu.memory_space<hbm>> -> memref<125x72xf32, #tpu.memory_space<hbm>>
    %dma_wait3A_64 = arith.constant 0 : i32
    %dma_wait3A_65 = arith.constant 0 : i32
    %dma_wait3A_66 = tpu.memref_slice %arg8[%dma_wait3A_64, %dma_wait3A_65] : memref<10112x72xf32, #tpu.memory_space<hbm>> -> memref<125x72xf32, #tpu.memory_space<hbm>>
    tpu.wait_dma2 semaphore(%arg24 : memref<!tpu.dma_semaphore, #tpu.memory_space<semaphore_mem>>) src(%dma_wait3A_66 : memref<125x72xf32, #tpu.memory_space<hbm>>) dst(%arg17 : memref<125x72xf32, #tpu.memory_space<vmem>>)
    %barrier3A_67 = arith.constant 0 : index
    tpu.barrier barrier_id(%barrier3A_67)
    "tpu.region"() ({
      %run_scoped3A = tpu.sem_alloc : memref<!tpu.dma_semaphore, #tpu.memory_space<semaphore_mem>>
      %dma_start3A = arith.constant 0 : i32
      %dma_start3A_68 = tpu.memref_slice %arg9[%arg0, %mul3A_0, %dma_start3A] : memref<2x10112x72xf32, #tpu.memory_space<hbm>> -> memref<1x632x72xf32, #tpu.memory_space<hbm>>
      %dma_start3A_69 = tpu.memref_squeeze %dma_start3A_68 : memref<1x632x72xf32, #tpu.memory_space<hbm>> -> memref<632x72xf32, #tpu.memory_space<hbm>>
      %dma_start3A_70 = arith.constant 0 : i32
      %dma_start3A_71 = tpu.memref_slice %arg18[%mul3A_0, %dma_start3A_70] : memref<10112x72xf32, #tpu.memory_space<vmem_shared>> -> memref<632x72xf32, #tpu.memory_space<vmem_shared>>
      tpu.enqueue_dma source(%dma_start3A_71 : memref<632x72xf32, #tpu.memory_space<vmem_shared>>) target(%dma_start3A_69 : memref<632x72xf32, #tpu.memory_space<hbm>>) target_semaphore(%run_scoped3A : memref<!tpu.dma_semaphore, #tpu.memory_space<semaphore_mem>>)
      %dma_wait3A_72 = arith.constant 0 : i32
      %dma_wait3A_73 = tpu.memref_slice %arg9[%arg0, %mul3A_0, %dma_wait3A_72] : memref<2x10112x72xf32, #tpu.memory_space<hbm>> -> memref<1x632x72xf32, #tpu.memory_space<hbm>>
      %dma_wait3A_74 = tpu.memref_squeeze %dma_wait3A_73 : memref<1x632x72xf32, #tpu.memory_space<hbm>> -> memref<632x72xf32, #tpu.memory_space<hbm>>
      %dma_wait3A_75 = arith.constant 0 : i32
      %dma_wait3A_76 = tpu.memref_slice %arg18[%mul3A_0, %dma_wait3A_75] : memref<10112x72xf32, #tpu.memory_space<vmem_shared>> -> memref<632x72xf32, #tpu.memory_space<vmem_shared>>
      tpu.wait_dma2 semaphore(%run_scoped3A : memref<!tpu.dma_semaphore, #tpu.memory_space<semaphore_mem>>) src(%dma_wait3A_76 : memref<632x72xf32, #tpu.memory_space<vmem_shared>>) dst(%dma_wait3A_74 : memref<632x72xf32, #tpu.memory_space<hbm>>)
      tpu.yield
    }) : () -> ()
    return
  }
}

module attributes {stable_mosaic.version = 14 : i64} {
  func.func @_proj_body(%arg0: i32, %arg1: memref<1000x128xf32, #tpu.memory_space<vmem>>, %arg2: memref<128x128xf32, #tpu.memory_space<vmem>>, %arg3: memref<128x128xf32, #tpu.memory_space<vmem>>, %arg4: memref<128x128xf32, #tpu.memory_space<vmem>>, %arg5: memref<1000x64xbf16, #tpu.memory_space<vmem>>, %arg6: memref<1000x64xbf16, #tpu.memory_space<vmem>>, %arg7: memref<1000x128xbf16, #tpu.memory_space<vmem>>, %arg8: memref<1000x128xbf16, #tpu.memory_space<vmem>>) attributes {dimension_semantics = [#tpu.dimension_semantics<arbitrary>], iteration_bounds = array<i64: 10>, scalar_prefetch = 0 : i64, scratch_operands = 0 : i64, tpu.core_type = #tpu.core_type<tc>, window_params = [{transform_indices = @transform_0, window_bounds = array<i64: 1000, 128>}, {pipeline_mode = #tpu.pipeline_mode<synchronous>, transform_indices = @transform_1, window_bounds = array<i64: 128, 128>}, {pipeline_mode = #tpu.pipeline_mode<synchronous>, transform_indices = @transform_2, window_bounds = array<i64: 128, 128>}, {pipeline_mode = #tpu.pipeline_mode<synchronous>, transform_indices = @transform_3, window_bounds = array<i64: 128, 128>}, {transform_indices = @transform_4, window_bounds = array<i64: 1000, 64>}, {transform_indices = @transform_5, window_bounds = array<i64: 1000, 64>}, {transform_indices = @transform_6, window_bounds = array<i64: 1000, 128>}, {transform_indices = @transform_7, window_bounds = array<i64: 1000, 128>}]} {
    %get3A = arith.constant 0 : index
    %get3A_0 = arith.constant 0 : index
    %get3A_1 = vector.load %arg1[%get3A, %get3A_0] : memref<1000x128xf32, #tpu.memory_space<vmem>>, vector<1000x128xf32>
    %get3A_2 = arith.constant 0 : index
    %get3A_3 = arith.constant 0 : index
    %get3A_4 = vector.load %arg2[%get3A_2, %get3A_3] : memref<128x128xf32, #tpu.memory_space<vmem>>, vector<128x128xf32>
    %dot_general3A = arith.constant dense<0.000000e+00> : vector<1000x128xf32>
    %dot_general3A_5 = tpu.matmul %get3A_1, %get3A_4, %dot_general3A {dimension_numbers = #tpu.dot_dimension_numbers<[1], [1], [0], [0], [0, 0, 1, 0], [], []>, transpose_lhs_hint = false} : vector<1000x128xf32>, vector<128x128xf32>, vector<1000x128xf32> -> vector<1000x128xf32>
    %get3A_6 = arith.constant 0 : index
    %get3A_7 = arith.constant 0 : index
    %get3A_8 = vector.load %arg3[%get3A_6, %get3A_7] : memref<128x128xf32, #tpu.memory_space<vmem>>, vector<128x128xf32>
    %dot_general3A_9 = arith.constant dense<0.000000e+00> : vector<1000x128xf32>
    %dot_general3A_10 = tpu.matmul %get3A_1, %get3A_8, %dot_general3A_9 {dimension_numbers = #tpu.dot_dimension_numbers<[1], [1], [0], [0], [0, 0, 1, 0], [], []>, transpose_lhs_hint = false} : vector<1000x128xf32>, vector<128x128xf32>, vector<1000x128xf32> -> vector<1000x128xf32>
    %get3A_11 = arith.constant 0 : index
    %get3A_12 = arith.constant 0 : index
    %get3A_13 = vector.load %arg4[%get3A_11, %get3A_12] : memref<128x128xf32, #tpu.memory_space<vmem>>, vector<128x128xf32>
    %dot_general3A_14 = arith.constant dense<0.000000e+00> : vector<1000x128xf32>
    %dot_general3A_15 = tpu.matmul %get3A_1, %get3A_13, %dot_general3A_14 {dimension_numbers = #tpu.dot_dimension_numbers<[1], [1], [0], [0], [0, 0, 1, 0], [], []>, transpose_lhs_hint = false} : vector<1000x128xf32>, vector<128x128xf32>, vector<1000x128xf32> -> vector<1000x128xf32>
    %iota3A = tpu.iota {dimensions = array<i32: 0>} : vector<64x64xi32>
    %iota3A_16 = tpu.iota {dimensions = array<i32: 1>} : vector<64x64xi32>
    %jit3A = arith.constant 32 : i32
    %div3A = vector.broadcast %jit3A : i32 to vector<64x64xi32>
    %div3A_17 = arith.divsi %iota3A_16, %div3A : vector<64x64xi32>
    %sign3A = arith.constant 0 : i32
    %sign3A_18 = vector.broadcast %sign3A : i32 to vector<64x64xi32>
    %sign3A_19 = arith.cmpi sgt, %iota3A_16, %sign3A_18 : vector<64x64xi32>
    %sign3A_20 = arith.extui %sign3A_19 : vector<64x64xi1> to vector<64x64xi32>
    %sign3A_21 = arith.constant 0 : i32
    %sign3A_22 = vector.broadcast %sign3A_21 : i32 to vector<64x64xi32>
    %sign3A_23 = arith.cmpi slt, %iota3A_16, %sign3A_22 : vector<64x64xi32>
    %sign3A_24 = arith.extui %sign3A_23 : vector<64x64xi1> to vector<64x64xi32>
    %sign3A_25 = arith.subi %sign3A_20, %sign3A_24 : vector<64x64xi32>
    %sign3A_26 = arith.constant 0 : i32
    %sign3A_27 = arith.cmpi sgt, %jit3A, %sign3A_26 : i32
    %sign3A_28 = arith.extui %sign3A_27 : i1 to i32
    %sign3A_29 = arith.constant 0 : i32
    %sign3A_30 = arith.cmpi slt, %jit3A, %sign3A_29 : i32
    %sign3A_31 = arith.extui %sign3A_30 : i1 to i32
    %sign3A_32 = arith.subi %sign3A_28, %sign3A_31 : i32
    %ne3A = vector.broadcast %sign3A_32 : i32 to vector<64x64xi32>
    %ne3A_33 = arith.cmpi ne, %sign3A_25, %ne3A : vector<64x64xi32>
    %rem3A = vector.broadcast %jit3A : i32 to vector<64x64xi32>
    %rem3A_34 = arith.remsi %iota3A_16, %rem3A : vector<64x64xi32>
    %ne3A_35 = arith.constant 0 : i32
    %ne3A_36 = vector.broadcast %ne3A_35 : i32 to vector<64x64xi32>
    %ne3A_37 = arith.cmpi ne, %rem3A_34, %ne3A_36 : vector<64x64xi32>
    %and3A = arith.andi %ne3A_33, %ne3A_37 : vector<64x64xi1>
    %sub3A = arith.constant 1 : i32
    %sub3A_38 = vector.broadcast %sub3A : i32 to vector<64x64xi32>
    %sub3A_39 = arith.subi %div3A_17, %sub3A_38 : vector<64x64xi32>
    %select_n3A = arith.select %and3A, %sub3A_39, %div3A_17 : vector<64x64xi1>, vector<64x64xi32>
    %mul3A = arith.constant 32 : i32
    %mul3A_40 = vector.broadcast %mul3A : i32 to vector<64x64xi32>
    %mul3A_41 = arith.muli %select_n3A, %mul3A_40 : vector<64x64xi32>
    %jit3A_42 = arith.constant 2 : i32
    %eq3A = arith.constant 0 : i32
    %eq3A_43 = arith.cmpi eq, %jit3A_42, %eq3A : i32
    %jit3A_44 = arith.constant 1 : i32
    %select_n3A_45 = arith.select %eq3A_43, %jit3A_44, %jit3A_42 : i32
    %rem3A_46 = vector.broadcast %select_n3A_45 : i32 to vector<64x64xi32>
    %rem3A_47 = arith.remsi %iota3A_16, %rem3A_46 : vector<64x64xi32>
    %ne3A_48 = arith.constant 0 : i32
    %ne3A_49 = vector.broadcast %ne3A_48 : i32 to vector<64x64xi32>
    %ne3A_50 = arith.cmpi ne, %rem3A_47, %ne3A_49 : vector<64x64xi32>
    %lt3A = arith.constant 0 : i32
    %lt3A_51 = vector.broadcast %lt3A : i32 to vector<64x64xi32>
    %lt3A_52 = arith.cmpi slt, %rem3A_47, %lt3A_51 : vector<64x64xi32>
    %lt3A_53 = arith.constant 0 : i32
    %lt3A_54 = arith.cmpi slt, %select_n3A_45, %lt3A_53 : i32
    %ne3A_55 = vector.broadcast %lt3A_54 : i1 to vector<64x64xi1>
    %ne3A_56 = vector.broadcast %ne3A_55 : vector<64x64xi1> to vector<64x64xi1>
    %ne3A_57 = arith.xori %lt3A_52, %ne3A_56 : vector<64x64xi1>
    %and3A_58 = arith.andi %ne3A_57, %ne3A_50 : vector<64x64xi1>
    %add3A = vector.broadcast %select_n3A_45 : i32 to vector<64x64xi32>
    %add3A_59 = arith.addi %rem3A_47, %add3A : vector<64x64xi32>
    %select_n3A_60 = arith.select %and3A_58, %add3A_59, %rem3A_47 : vector<64x64xi1>, vector<64x64xi32>
    %mul3A_61 = arith.constant 16 : i32
    %mul3A_62 = vector.broadcast %mul3A_61 : i32 to vector<64x64xi32>
    %mul3A_63 = arith.muli %select_n3A_60, %mul3A_62 : vector<64x64xi32>
    %add3A_64 = arith.addi %mul3A_41, %mul3A_63 : vector<64x64xi32>
    %jit3A_65 = arith.constant 32 : i32
    %eq3A_66 = arith.constant 0 : i32
    %eq3A_67 = arith.cmpi eq, %jit3A_65, %eq3A_66 : i32
    %jit3A_68 = arith.constant 1 : i32
    %select_n3A_69 = arith.select %eq3A_67, %jit3A_68, %jit3A_65 : i32
    %rem3A_70 = vector.broadcast %select_n3A_69 : i32 to vector<64x64xi32>
    %rem3A_71 = arith.remsi %iota3A_16, %rem3A_70 : vector<64x64xi32>
    %ne3A_72 = arith.constant 0 : i32
    %ne3A_73 = vector.broadcast %ne3A_72 : i32 to vector<64x64xi32>
    %ne3A_74 = arith.cmpi ne, %rem3A_71, %ne3A_73 : vector<64x64xi32>
    %lt3A_75 = arith.constant 0 : i32
    %lt3A_76 = vector.broadcast %lt3A_75 : i32 to vector<64x64xi32>
    %lt3A_77 = arith.cmpi slt, %rem3A_71, %lt3A_76 : vector<64x64xi32>
    %lt3A_78 = arith.constant 0 : i32
    %lt3A_79 = arith.cmpi slt, %select_n3A_69, %lt3A_78 : i32
    %ne3A_80 = vector.broadcast %lt3A_79 : i1 to vector<64x64xi1>
    %ne3A_81 = vector.broadcast %ne3A_80 : vector<64x64xi1> to vector<64x64xi1>
    %ne3A_82 = arith.xori %lt3A_77, %ne3A_81 : vector<64x64xi1>
    %and3A_83 = arith.andi %ne3A_82, %ne3A_74 : vector<64x64xi1>
    %add3A_84 = vector.broadcast %select_n3A_69 : i32 to vector<64x64xi32>
    %add3A_85 = arith.addi %rem3A_71, %add3A_84 : vector<64x64xi32>
    %select_n3A_86 = arith.select %and3A_83, %add3A_85, %rem3A_71 : vector<64x64xi1>, vector<64x64xi32>
    %jit3A_87 = arith.constant 2 : i32
    %div3A_88 = vector.broadcast %jit3A_87 : i32 to vector<64x64xi32>
    %div3A_89 = arith.divsi %select_n3A_86, %div3A_88 : vector<64x64xi32>
    %sign3A_90 = arith.constant 0 : i32
    %sign3A_91 = vector.broadcast %sign3A_90 : i32 to vector<64x64xi32>
    %sign3A_92 = arith.cmpi sgt, %select_n3A_86, %sign3A_91 : vector<64x64xi32>
    %sign3A_93 = arith.extui %sign3A_92 : vector<64x64xi1> to vector<64x64xi32>
    %sign3A_94 = arith.constant 0 : i32
    %sign3A_95 = vector.broadcast %sign3A_94 : i32 to vector<64x64xi32>
    %sign3A_96 = arith.cmpi slt, %select_n3A_86, %sign3A_95 : vector<64x64xi32>
    %sign3A_97 = arith.extui %sign3A_96 : vector<64x64xi1> to vector<64x64xi32>
    %sign3A_98 = arith.subi %sign3A_93, %sign3A_97 : vector<64x64xi32>
    %sign3A_99 = arith.constant 0 : i32
    %sign3A_100 = arith.cmpi sgt, %jit3A_87, %sign3A_99 : i32
    %sign3A_101 = arith.extui %sign3A_100 : i1 to i32
    %sign3A_102 = arith.constant 0 : i32
    %sign3A_103 = arith.cmpi slt, %jit3A_87, %sign3A_102 : i32
    %sign3A_104 = arith.extui %sign3A_103 : i1 to i32
    %sign3A_105 = arith.subi %sign3A_101, %sign3A_104 : i32
    %ne3A_106 = vector.broadcast %sign3A_105 : i32 to vector<64x64xi32>
    %ne3A_107 = arith.cmpi ne, %sign3A_98, %ne3A_106 : vector<64x64xi32>
    %rem3A_108 = vector.broadcast %jit3A_87 : i32 to vector<64x64xi32>
    %rem3A_109 = arith.remsi %select_n3A_86, %rem3A_108 : vector<64x64xi32>
    %ne3A_110 = arith.constant 0 : i32
    %ne3A_111 = vector.broadcast %ne3A_110 : i32 to vector<64x64xi32>
    %ne3A_112 = arith.cmpi ne, %rem3A_109, %ne3A_111 : vector<64x64xi32>
    %and3A_113 = arith.andi %ne3A_107, %ne3A_112 : vector<64x64xi1>
    %sub3A_114 = arith.constant 1 : i32
    %sub3A_115 = vector.broadcast %sub3A_114 : i32 to vector<64x64xi32>
    %sub3A_116 = arith.subi %div3A_89, %sub3A_115 : vector<64x64xi32>
    %select_n3A_117 = arith.select %and3A_113, %sub3A_116, %div3A_89 : vector<64x64xi1>, vector<64x64xi32>
    %add3A_118 = arith.addi %add3A_64, %select_n3A_117 : vector<64x64xi32>
    %eq3A_119 = arith.cmpi eq, %iota3A, %add3A_118 : vector<64x64xi32>
    %convert_element_type3A = arith.extui %eq3A_119 : vector<64x64xi1> to vector<64x64xi32>
    %convert_element_type3A_120 = arith.sitofp %convert_element_type3A : vector<64x64xi32> to vector<64x64xf32>
    %slice3A = vector.extract_strided_slice %dot_general3A_5 {offsets = [0, 0], sizes = [1000, 64], strides = [1, 1]} : vector<1000x128xf32> to vector<1000x64xf32>
    %dot_general3A_121 = arith.constant dense<0.000000e+00> : vector<1000x64xf32>
    %dot_general3A_122 = tpu.matmul %slice3A, %convert_element_type3A_120, %dot_general3A_121 {dimension_numbers = #tpu.dot_dimension_numbers<[1], [0], [0], [1], [0, 0, 1, 1], [], []>, transpose_lhs_hint = false} : vector<1000x64xf32>, vector<64x64xf32>, vector<1000x64xf32> -> vector<1000x64xf32>
    %convert_element_type3A_123 = arith.truncf %dot_general3A_122 : vector<1000x64xf32> to vector<1000x64xbf16>
    %swap3A = arith.constant 0 : index
    %swap3A_124 = arith.constant 0 : index
    %swap3A_125 = vector.load %arg5[%swap3A, %swap3A_124] : memref<1000x64xbf16, #tpu.memory_space<vmem>>, vector<1000x64xbf16>
    tpu.vector_store %arg5[%swap3A, %swap3A_124], %convert_element_type3A_123 {strides = array<i32>} : memref<1000x64xbf16, #tpu.memory_space<vmem>>, vector<1000x64xbf16>,
    %slice3A_126 = vector.extract_strided_slice %dot_general3A_5 {offsets = [0, 64], sizes = [1000, 64], strides = [1, 1]} : vector<1000x128xf32> to vector<1000x64xf32>
    %dot_general3A_127 = arith.constant dense<0.000000e+00> : vector<1000x64xf32>
    %dot_general3A_128 = tpu.matmul %slice3A_126, %convert_element_type3A_120, %dot_general3A_127 {dimension_numbers = #tpu.dot_dimension_numbers<[1], [0], [0], [1], [0, 0, 1, 1], [], []>, transpose_lhs_hint = false} : vector<1000x64xf32>, vector<64x64xf32>, vector<1000x64xf32> -> vector<1000x64xf32>
    %convert_element_type3A_129 = arith.truncf %dot_general3A_128 : vector<1000x64xf32> to vector<1000x64xbf16>
    %swap3A_130 = arith.constant 0 : index
    %swap3A_131 = arith.constant 0 : index
    %swap3A_132 = vector.load %arg6[%swap3A_130, %swap3A_131] : memref<1000x64xbf16, #tpu.memory_space<vmem>>, vector<1000x64xbf16>
    tpu.vector_store %arg6[%swap3A_130, %swap3A_131], %convert_element_type3A_129 {strides = array<i32>} : memref<1000x64xbf16, #tpu.memory_space<vmem>>, vector<1000x64xbf16>,
    %slice3A_133 = vector.extract_strided_slice %dot_general3A_10 {offsets = [0, 0], sizes = [1000, 64], strides = [1, 1]} : vector<1000x128xf32> to vector<1000x64xf32>
    %dot_general3A_134 = arith.constant dense<0.000000e+00> : vector<1000x64xf32>
    %dot_general3A_135 = tpu.matmul %slice3A_133, %convert_element_type3A_120, %dot_general3A_134 {dimension_numbers = #tpu.dot_dimension_numbers<[1], [0], [0], [1], [0, 0, 1, 1], [], []>, transpose_lhs_hint = false} : vector<1000x64xf32>, vector<64x64xf32>, vector<1000x64xf32> -> vector<1000x64xf32>
    %convert_element_type3A_136 = arith.truncf %dot_general3A_135 : vector<1000x64xf32> to vector<1000x64xbf16>
    %slice3A_137 = vector.extract_strided_slice %dot_general3A_15 {offsets = [0, 0], sizes = [1000, 64], strides = [1, 1]} : vector<1000x128xf32> to vector<1000x64xf32>
    %dot_general3A_138 = arith.constant dense<0.000000e+00> : vector<1000x64xf32>
    %dot_general3A_139 = tpu.matmul %slice3A_137, %convert_element_type3A_120, %dot_general3A_138 {dimension_numbers = #tpu.dot_dimension_numbers<[1], [0], [0], [1], [0, 0, 1, 1], [], []>, transpose_lhs_hint = false} : vector<1000x64xf32>, vector<64x64xf32>, vector<1000x64xf32> -> vector<1000x64xf32>
    %convert_element_type3A_140 = arith.truncf %dot_general3A_139 : vector<1000x64xf32> to vector<1000x64xbf16>
    %concatenate3A = tpu.concatenate %convert_element_type3A_136, %convert_element_type3A_140 in 1 : vector<1000x64xbf16>, vector<1000x64xbf16> -> vector<1000x128xbf16>
    %swap3A_141 = arith.constant 0 : index
    %swap3A_142 = arith.constant 0 : index
    %swap3A_143 = vector.load %arg7[%swap3A_141, %swap3A_142] : memref<1000x128xbf16, #tpu.memory_space<vmem>>, vector<1000x128xbf16>
    tpu.vector_store %arg7[%swap3A_141, %swap3A_142], %concatenate3A {strides = array<i32>} : memref<1000x128xbf16, #tpu.memory_space<vmem>>, vector<1000x128xbf16>,
    %slice3A_144 = vector.extract_strided_slice %dot_general3A_10 {offsets = [0, 64], sizes = [1000, 64], strides = [1, 1]} : vector<1000x128xf32> to vector<1000x64xf32>
    %dot_general3A_145 = arith.constant dense<0.000000e+00> : vector<1000x64xf32>
    %dot_general3A_146 = tpu.matmul %slice3A_144, %convert_element_type3A_120, %dot_general3A_145 {dimension_numbers = #tpu.dot_dimension_numbers<[1], [0], [0], [1], [0, 0, 1, 1], [], []>, transpose_lhs_hint = false} : vector<1000x64xf32>, vector<64x64xf32>, vector<1000x64xf32> -> vector<1000x64xf32>
    %convert_element_type3A_147 = arith.truncf %dot_general3A_146 : vector<1000x64xf32> to vector<1000x64xbf16>
    %slice3A_148 = vector.extract_strided_slice %dot_general3A_15 {offsets = [0, 64], sizes = [1000, 64], strides = [1, 1]} : vector<1000x128xf32> to vector<1000x64xf32>
    %dot_general3A_149 = arith.constant dense<0.000000e+00> : vector<1000x64xf32>
    %dot_general3A_150 = tpu.matmul %slice3A_148, %convert_element_type3A_120, %dot_general3A_149 {dimension_numbers = #tpu.dot_dimension_numbers<[1], [0], [0], [1], [0, 0, 1, 1], [], []>, transpose_lhs_hint = false} : vector<1000x64xf32>, vector<64x64xf32>, vector<1000x64xf32> -> vector<1000x64xf32>
    %convert_element_type3A_151 = arith.truncf %dot_general3A_150 : vector<1000x64xf32> to vector<1000x64xbf16>
    %concatenate3A_152 = tpu.concatenate %convert_element_type3A_147, %convert_element_type3A_151 in 1 : vector<1000x64xbf16>, vector<1000x64xbf16> -> vector<1000x128xbf16>
    %swap3A_153 = arith.constant 0 : index
    %swap3A_154 = arith.constant 0 : index
    %swap3A_155 = vector.load %arg8[%swap3A_153, %swap3A_154] : memref<1000x128xbf16, #tpu.memory_space<vmem>>, vector<1000x128xbf16>
    tpu.vector_store %arg8[%swap3A_153, %swap3A_154], %concatenate3A_152 {strides = array<i32>} : memref<1000x128xbf16, #tpu.memory_space<vmem>>, vector<1000x128xbf16>,
    return
  }
  func.func @transform_0(%arg0: i32) -> (i32, i32) {
    %c0_i32 = arith.constant 0 : i32
    %c0_i32_0 = arith.constant 0 : i32
    return %arg0, %c0_i32 : i32, i32
  }
  func.func @transform_1(%arg0: i32) -> (i32, i32) {
    %c0_i32 = arith.constant 0 : i32
    %c0_i32_0 = arith.constant 0 : i32
    %c0_i32_1 = arith.constant 0 : i32
    return %c0_i32, %c0_i32_0 : i32, i32
  }
  func.func @transform_2(%arg0: i32) -> (i32, i32) {
    %c0_i32 = arith.constant 0 : i32
    %c0_i32_0 = arith.constant 0 : i32
    %c0_i32_1 = arith.constant 0 : i32
    return %c0_i32, %c0_i32_0 : i32, i32
  }
  func.func @transform_3(%arg0: i32) -> (i32, i32) {
    %c0_i32 = arith.constant 0 : i32
    %c0_i32_0 = arith.constant 0 : i32
    %c0_i32_1 = arith.constant 0 : i32
    return %c0_i32, %c0_i32_0 : i32, i32
  }
  func.func @transform_4(%arg0: i32) -> (i32, i32) {
    %c0_i32 = arith.constant 0 : i32
    %c0_i32_0 = arith.constant 0 : i32
    return %arg0, %c0_i32 : i32, i32
  }
  func.func @transform_5(%arg0: i32) -> (i32, i32) {
    %c0_i32 = arith.constant 0 : i32
    %c0_i32_0 = arith.constant 0 : i32
    return %arg0, %c0_i32 : i32, i32
  }
  func.func @transform_6(%arg0: i32) -> (i32, i32) {
    %c0_i32 = arith.constant 0 : i32
    %c0_i32_0 = arith.constant 0 : i32
    return %arg0, %c0_i32 : i32, i32
  }
  func.func @transform_7(%arg0: i32) -> (i32, i32) {
    %c0_i32 = arith.constant 0 : i32
    %c0_i32_0 = arith.constant 0 : i32
    return %arg0, %c0_i32 : i32, i32
  }
}

module attributes {stable_mosaic.version = 14 : i64} {
  func.func @_epi_body(%arg0: i32, %arg1: memref<2x1000x72xf32, #tpu.memory_space<vmem>>, %arg2: memref<1000x128xf32, #tpu.memory_space<vmem>>, %arg3: memref<128x128xf32, #tpu.memory_space<vmem>>, %arg4: memref<128xf32, #tpu.memory_space<vmem>>, %arg5: memref<128xf32, #tpu.memory_space<vmem>>, %arg6: memref<512x128xf32, #tpu.memory_space<vmem>>, %arg7: memref<512xf32, #tpu.memory_space<vmem>>, %arg8: memref<128x512xf32, #tpu.memory_space<vmem>>, %arg9: memref<128xf32, #tpu.memory_space<vmem>>, %arg10: memref<128xf32, #tpu.memory_space<vmem>>, %arg11: memref<128xf32, #tpu.memory_space<vmem>>, %arg12: memref<1000x128xf32, #tpu.memory_space<vmem>>) attributes {dimension_semantics = [#tpu.dimension_semantics<arbitrary>], iteration_bounds = array<i64: 10>, scalar_prefetch = 0 : i64, scratch_operands = 0 : i64, tpu.core_type = #tpu.core_type<tc>, window_params = [{transform_indices = @transform_0, window_bounds = array<i64: 2, 1000, 72>}, {transform_indices = @transform_1, window_bounds = array<i64: 1000, 128>}, {pipeline_mode = #tpu.pipeline_mode<synchronous>, transform_indices = @transform_2, window_bounds = array<i64: 128, 128>}, {pipeline_mode = #tpu.pipeline_mode<synchronous>, transform_indices = @transform_3, window_bounds = array<i64: 128>}, {pipeline_mode = #tpu.pipeline_mode<synchronous>, transform_indices = @transform_4, window_bounds = array<i64: 128>}, {pipeline_mode = #tpu.pipeline_mode<synchronous>, transform_indices = @transform_5, window_bounds = array<i64: 512, 128>}, {pipeline_mode = #tpu.pipeline_mode<synchronous>, transform_indices = @transform_6, window_bounds = array<i64: 512>}, {pipeline_mode = #tpu.pipeline_mode<synchronous>, transform_indices = @transform_7, window_bounds = array<i64: 128, 512>}, {pipeline_mode = #tpu.pipeline_mode<synchronous>, transform_indices = @transform_8, window_bounds = array<i64: 128>}, {pipeline_mode = #tpu.pipeline_mode<synchronous>, transform_indices = @transform_9, window_bounds = array<i64: 128>}, {pipeline_mode = #tpu.pipeline_mode<synchronous>, transform_indices = @transform_10, window_bounds = array<i64: 128>}, {transform_indices = @transform_11, window_bounds = array<i64: 1000, 128>}]} {
    %get3A = arith.constant 0 : index
    %get3A_0 = arith.constant 0 : index
    %get3A_1 = arith.constant 0 : index
    %get3A_2 = vector.load %arg1[%get3A, %get3A_0, %get3A_1] : memref<2x1000x72xf32, #tpu.memory_space<vmem>>, vector<1x1000x72xf32>
    %get3A_3 = vector.shape_cast %get3A_2 : vector<1x1000x72xf32> to vector<1000x72xf32>
    %get3A_4 = arith.constant 1 : index
    %get3A_5 = arith.constant 0 : index
    %get3A_6 = arith.constant 0 : index
    %get3A_7 = vector.load %arg1[%get3A_4, %get3A_5, %get3A_6] : memref<2x1000x72xf32, #tpu.memory_space<vmem>>, vector<1x1000x72xf32>
    %get3A_8 = vector.shape_cast %get3A_7 : vector<1x1000x72xf32> to vector<1000x72xf32>
    %slice3A = vector.extract_strided_slice %get3A_3 {offsets = [0, 0], sizes = [1000, 64], strides = [1, 1]} : vector<1000x72xf32> to vector<1000x64xf32>
    %slice3A_9 = vector.extract_strided_slice %get3A_8 {offsets = [0, 0], sizes = [1000, 64], strides = [1, 1]} : vector<1000x72xf32> to vector<1000x64xf32>
    %concatenate3A = tpu.concatenate %slice3A, %slice3A_9 in 1 : vector<1000x64xf32>, vector<1000x64xf32> -> vector<1000x128xf32>
    %slice3A_10 = vector.extract_strided_slice %get3A_3 {offsets = [0, 64], sizes = [1000, 4], strides = [1, 1]} : vector<1000x72xf32> to vector<1000x4xf32>
    %slice3A_11 = vector.extract_strided_slice %get3A_8 {offsets = [0, 64], sizes = [1000, 4], strides = [1, 1]} : vector<1000x72xf32> to vector<1000x4xf32>
    %concatenate3A_12 = tpu.concatenate %slice3A_10, %slice3A_11 in 1 : vector<1000x4xf32>, vector<1000x4xf32> -> vector<1000x8xf32>
    %iota3A = tpu.iota {dimensions = array<i32: 0>} : vector<8x128xi32>
    %iota3A_13 = tpu.iota {dimensions = array<i32: 1>} : vector<8x128xi32>
    %jit3A = arith.constant 16 : i32
    %div3A = vector.broadcast %jit3A : i32 to vector<8x128xi32>
    %div3A_14 = arith.divsi %iota3A_13, %div3A : vector<8x128xi32>
    %sign3A = arith.constant 0 : i32
    %sign3A_15 = vector.broadcast %sign3A : i32 to vector<8x128xi32>
    %sign3A_16 = arith.cmpi sgt, %iota3A_13, %sign3A_15 : vector<8x128xi32>
    %sign3A_17 = arith.extui %sign3A_16 : vector<8x128xi1> to vector<8x128xi32>
    %sign3A_18 = arith.constant 0 : i32
    %sign3A_19 = vector.broadcast %sign3A_18 : i32 to vector<8x128xi32>
    %sign3A_20 = arith.cmpi slt, %iota3A_13, %sign3A_19 : vector<8x128xi32>
    %sign3A_21 = arith.extui %sign3A_20 : vector<8x128xi1> to vector<8x128xi32>
    %sign3A_22 = arith.subi %sign3A_17, %sign3A_21 : vector<8x128xi32>
    %sign3A_23 = arith.constant 0 : i32
    %sign3A_24 = arith.cmpi sgt, %jit3A, %sign3A_23 : i32
    %sign3A_25 = arith.extui %sign3A_24 : i1 to i32
    %sign3A_26 = arith.constant 0 : i32
    %sign3A_27 = arith.cmpi slt, %jit3A, %sign3A_26 : i32
    %sign3A_28 = arith.extui %sign3A_27 : i1 to i32
    %sign3A_29 = arith.subi %sign3A_25, %sign3A_28 : i32
    %ne3A = vector.broadcast %sign3A_29 : i32 to vector<8x128xi32>
    %ne3A_30 = arith.cmpi ne, %sign3A_22, %ne3A : vector<8x128xi32>
    %rem3A = vector.broadcast %jit3A : i32 to vector<8x128xi32>
    %rem3A_31 = arith.remsi %iota3A_13, %rem3A : vector<8x128xi32>
    %ne3A_32 = arith.constant 0 : i32
    %ne3A_33 = vector.broadcast %ne3A_32 : i32 to vector<8x128xi32>
    %ne3A_34 = arith.cmpi ne, %rem3A_31, %ne3A_33 : vector<8x128xi32>
    %and3A = arith.andi %ne3A_30, %ne3A_34 : vector<8x128xi1>
    %sub3A = arith.constant 1 : i32
    %sub3A_35 = vector.broadcast %sub3A : i32 to vector<8x128xi32>
    %sub3A_36 = arith.subi %div3A_14, %sub3A_35 : vector<8x128xi32>
    %select_n3A = arith.select %and3A, %sub3A_36, %div3A_14 : vector<8x128xi1>, vector<8x128xi32>
    %eq3A = arith.cmpi eq, %select_n3A, %iota3A : vector<8x128xi32>
    %convert_element_type3A = arith.extui %eq3A : vector<8x128xi1> to vector<8x128xi32>
    %convert_element_type3A_37 = arith.sitofp %convert_element_type3A : vector<8x128xi32> to vector<8x128xf32>
    %dot_general3A = arith.constant dense<0.000000e+00> : vector<1000x128xf32>
    %dot_general3A_38 = tpu.matmul %concatenate3A_12, %convert_element_type3A_37, %dot_general3A {dimension_numbers = #tpu.dot_dimension_numbers<[1], [0], [0], [1], [0, 0, 1, 1], [], []>, transpose_lhs_hint = false} : vector<1000x8xf32>, vector<8x128xf32>, vector<1000x128xf32> -> vector<1000x128xf32>
    %eq3A_39 = arith.constant 0.000000e+00 : f32
    %eq3A_40 = vector.broadcast %eq3A_39 : f32 to vector<1000x128xf32>
    %eq3A_41 = arith.cmpf oeq, %dot_general3A_38, %eq3A_40 : vector<1000x128xf32>
    %jit3A_42 = arith.constant 1.000000e+00 : f32
    %broadcast_in_dim3A = vector.broadcast %jit3A_42 : f32 to vector<1000x128xf32>
    %select_n3A_43 = arith.select %eq3A_41, %broadcast_in_dim3A, %dot_general3A_38 : vector<1000x128xi1>, vector<1000x128xf32>
    %div3A_44 = arith.divf %concatenate3A, %select_n3A_43 : vector<1000x128xf32>
    %get3A_45 = arith.constant 0 : index
    %get3A_46 = arith.constant 0 : index
    %get3A_47 = vector.load %arg3[%get3A_45, %get3A_46] : memref<128x128xf32, #tpu.memory_space<vmem>>, vector<128x128xf32>
    %dot_general3A_48 = arith.constant dense<0.000000e+00> : vector<1000x128xf32>
    %dot_general3A_49 = tpu.matmul %div3A_44, %get3A_47, %dot_general3A_48 {dimension_numbers = #tpu.dot_dimension_numbers<[1], [1], [0], [0], [0, 0, 1, 0], [], []>, transpose_lhs_hint = false} : vector<1000x128xf32>, vector<128x128xf32>, vector<1000x128xf32> -> vector<1000x128xf32>
    %get3A_50 = arith.constant 0 : index
    %get3A_51 = arith.constant 0 : index
    %get3A_52 = vector.load %arg2[%get3A_50, %get3A_51] : memref<1000x128xf32, #tpu.memory_space<vmem>>, vector<1000x128xf32>
    %add3A = arith.addf %get3A_52, %dot_general3A_49 : vector<1000x128xf32>
    %reduce_sum3A = arith.constant dense<0.000000e+00> : vector<1000xf32>
    %reduce_sum3A_53 = vector.multi_reduction <add>, %add3A, %reduce_sum3A [1] : vector<1000x128xf32> to vector<1000xf32>
    %broadcast_in_dim3A_54 = vector.shape_cast %reduce_sum3A_53 : vector<1000xf32> to vector<1000x1xf32>
    %div3A_55 = arith.constant 1.280000e+02 : f32
    %div3A_56 = vector.broadcast %div3A_55 : f32 to vector<1000x1xf32>
    %div3A_57 = arith.divf %broadcast_in_dim3A_54, %div3A_56 : vector<1000x1xf32>
    %sub3A_58 = vector.broadcast %div3A_57 : vector<1000x1xf32> to vector<1000x128xf32>
    %sub3A_59 = arith.subf %add3A, %sub3A_58 : vector<1000x128xf32>
    %integer_pow3A = arith.mulf %sub3A_59, %sub3A_59 : vector<1000x128xf32>
    %reduce_sum3A_60 = arith.constant dense<0.000000e+00> : vector<1000xf32>
    %reduce_sum3A_61 = vector.multi_reduction <add>, %integer_pow3A, %reduce_sum3A_60 [1] : vector<1000x128xf32> to vector<1000xf32>
    %broadcast_in_dim3A_62 = vector.shape_cast %reduce_sum3A_61 : vector<1000xf32> to vector<1000x1xf32>
    %div3A_63 = arith.constant 1.280000e+02 : f32
    %div3A_64 = vector.broadcast %div3A_63 : f32 to vector<1000x1xf32>
    %div3A_65 = arith.divf %broadcast_in_dim3A_62, %div3A_64 : vector<1000x1xf32>
    %sub3A_66 = vector.broadcast %div3A_57 : vector<1000x1xf32> to vector<1000x128xf32>
    %sub3A_67 = arith.subf %add3A, %sub3A_66 : vector<1000x128xf32>
    %add3A_68 = arith.constant 9.99999974E-6 : f32
    %add3A_69 = vector.broadcast %add3A_68 : f32 to vector<1000x1xf32>
    %add3A_70 = arith.addf %div3A_65, %add3A_69 : vector<1000x1xf32>
    %sqrt3A = math.sqrt %add3A_70 : vector<1000x1xf32>
    %div3A_71 = vector.broadcast %sqrt3A : vector<1000x1xf32> to vector<1000x128xf32>
    %div3A_72 = arith.divf %sub3A_67, %div3A_71 : vector<1000x128xf32>
    %get3A_73 = arith.constant 0 : index
    %get3A_74 = vector.load %arg4[%get3A_73] : memref<128xf32, #tpu.memory_space<vmem>>, vector<128xf32>
    %broadcast_in_dim3A_75 = vector.shape_cast %get3A_74 : vector<128xf32> to vector<1x128xf32>
    %mul3A = vector.broadcast %broadcast_in_dim3A_75 : vector<1x128xf32> to vector<1000x128xf32>
    %mul3A_76 = arith.mulf %div3A_72, %mul3A : vector<1000x128xf32>
    %get3A_77 = arith.constant 0 : index
    %get3A_78 = vector.load %arg5[%get3A_77] : memref<128xf32, #tpu.memory_space<vmem>>, vector<128xf32>
    %broadcast_in_dim3A_79 = vector.shape_cast %get3A_78 : vector<128xf32> to vector<1x128xf32>
    %add3A_80 = vector.broadcast %broadcast_in_dim3A_79 : vector<1x128xf32> to vector<1000x128xf32>
    %add3A_81 = arith.addf %mul3A_76, %add3A_80 : vector<1000x128xf32>
    %get3A_82 = arith.constant 0 : index
    %get3A_83 = arith.constant 0 : index
    %get3A_84 = vector.load %arg6[%get3A_82, %get3A_83] : memref<512x128xf32, #tpu.memory_space<vmem>>, vector<512x128xf32>
    %dot_general3A_85 = arith.constant dense<0.000000e+00> : vector<1000x512xf32>
    %dot_general3A_86 = tpu.matmul %add3A_81, %get3A_84, %dot_general3A_85 {dimension_numbers = #tpu.dot_dimension_numbers<[1], [1], [0], [0], [0, 0, 1, 0], [], []>, transpose_lhs_hint = false} : vector<1000x128xf32>, vector<512x128xf32>, vector<1000x512xf32> -> vector<1000x512xf32>
    %get3A_87 = arith.constant 0 : index
    %get3A_88 = vector.load %arg7[%get3A_87] : memref<512xf32, #tpu.memory_space<vmem>>, vector<512xf32>
    %broadcast_in_dim3A_89 = vector.shape_cast %get3A_88 : vector<512xf32> to vector<1x512xf32>
    %add3A_90 = vector.broadcast %broadcast_in_dim3A_89 : vector<1x512xf32> to vector<1000x512xf32>
    %add3A_91 = arith.addf %dot_general3A_86, %add3A_90 : vector<1000x512xf32>
    %max3A = arith.constant 0.000000e+00 : f32
    %max3A_92 = vector.broadcast %max3A : f32 to vector<1000x512xf32>
    %max3A_93 = arith.maximumf %add3A_91, %max3A_92 : vector<1000x512xf32>
    %get3A_94 = arith.constant 0 : index
    %get3A_95 = arith.constant 0 : index
    %get3A_96 = vector.load %arg8[%get3A_94, %get3A_95] : memref<128x512xf32, #tpu.memory_space<vmem>>, vector<128x512xf32>
    %dot_general3A_97 = arith.constant dense<0.000000e+00> : vector<1000x128xf32>
    %dot_general3A_98 = tpu.matmul %max3A_93, %get3A_96, %dot_general3A_97 {dimension_numbers = #tpu.dot_dimension_numbers<[1], [1], [0], [0], [0, 0, 1, 0], [], []>, transpose_lhs_hint = false} : vector<1000x512xf32>, vector<128x512xf32>, vector<1000x128xf32> -> vector<1000x128xf32>
    %get3A_99 = arith.constant 0 : index
    %get3A_100 = vector.load %arg9[%get3A_99] : memref<128xf32, #tpu.memory_space<vmem>>, vector<128xf32>
    %broadcast_in_dim3A_101 = vector.shape_cast %get3A_100 : vector<128xf32> to vector<1x128xf32>
    %add3A_102 = vector.broadcast %broadcast_in_dim3A_101 : vector<1x128xf32> to vector<1000x128xf32>
    %add3A_103 = arith.addf %dot_general3A_98, %add3A_102 : vector<1000x128xf32>
    %add3A_104 = arith.addf %add3A_81, %add3A_103 : vector<1000x128xf32>
    %reduce_sum3A_105 = arith.constant dense<0.000000e+00> : vector<1000xf32>
    %reduce_sum3A_106 = vector.multi_reduction <add>, %add3A_104, %reduce_sum3A_105 [1] : vector<1000x128xf32> to vector<1000xf32>
    %broadcast_in_dim3A_107 = vector.shape_cast %reduce_sum3A_106 : vector<1000xf32> to vector<1000x1xf32>
    %div3A_108 = arith.constant 1.280000e+02 : f32
    %div3A_109 = vector.broadcast %div3A_108 : f32 to vector<1000x1xf32>
    %div3A_110 = arith.divf %broadcast_in_dim3A_107, %div3A_109 : vector<1000x1xf32>
    %sub3A_111 = vector.broadcast %div3A_110 : vector<1000x1xf32> to vector<1000x128xf32>
    %sub3A_112 = arith.subf %add3A_104, %sub3A_111 : vector<1000x128xf32>
    %integer_pow3A_113 = arith.mulf %sub3A_112, %sub3A_112 : vector<1000x128xf32>
    %reduce_sum3A_114 = arith.constant dense<0.000000e+00> : vector<1000xf32>
    %reduce_sum3A_115 = vector.multi_reduction <add>, %integer_pow3A_113, %reduce_sum3A_114 [1] : vector<1000x128xf32> to vector<1000xf32>
    %broadcast_in_dim3A_116 = vector.shape_cast %reduce_sum3A_115 : vector<1000xf32> to vector<1000x1xf32>
    %div3A_117 = arith.constant 1.280000e+02 : f32
    %div3A_118 = vector.broadcast %div3A_117 : f32 to vector<1000x1xf32>
    %div3A_119 = arith.divf %broadcast_in_dim3A_116, %div3A_118 : vector<1000x1xf32>
    %sub3A_120 = vector.broadcast %div3A_110 : vector<1000x1xf32> to vector<1000x128xf32>
    %sub3A_121 = arith.subf %add3A_104, %sub3A_120 : vector<1000x128xf32>
    %add3A_122 = arith.constant 9.99999974E-6 : f32
    %add3A_123 = vector.broadcast %add3A_122 : f32 to vector<1000x1xf32>
    %add3A_124 = arith.addf %div3A_119, %add3A_123 : vector<1000x1xf32>
    %sqrt3A_125 = math.sqrt %add3A_124 : vector<1000x1xf32>
    %div3A_126 = vector.broadcast %sqrt3A_125 : vector<1000x1xf32> to vector<1000x128xf32>
    %div3A_127 = arith.divf %sub3A_121, %div3A_126 : vector<1000x128xf32>
    %get3A_128 = arith.constant 0 : index
    %get3A_129 = vector.load %arg10[%get3A_128] : memref<128xf32, #tpu.memory_space<vmem>>, vector<128xf32>
    %broadcast_in_dim3A_130 = vector.shape_cast %get3A_129 : vector<128xf32> to vector<1x128xf32>
    %mul3A_131 = vector.broadcast %broadcast_in_dim3A_130 : vector<1x128xf32> to vector<1000x128xf32>
    %mul3A_132 = arith.mulf %div3A_127, %mul3A_131 : vector<1000x128xf32>
    %get3A_133 = arith.constant 0 : index
    %get3A_134 = vector.load %arg11[%get3A_133] : memref<128xf32, #tpu.memory_space<vmem>>, vector<128xf32>
    %broadcast_in_dim3A_135 = vector.shape_cast %get3A_134 : vector<128xf32> to vector<1x128xf32>
    %add3A_136 = vector.broadcast %broadcast_in_dim3A_135 : vector<1x128xf32> to vector<1000x128xf32>
    %add3A_137 = arith.addf %mul3A_132, %add3A_136 : vector<1000x128xf32>
    %swap3A = arith.constant 0 : index
    %swap3A_138 = arith.constant 0 : index
    %swap3A_139 = vector.load %arg12[%swap3A, %swap3A_138] : memref<1000x128xf32, #tpu.memory_space<vmem>>, vector<1000x128xf32>
    tpu.vector_store %arg12[%swap3A, %swap3A_138], %add3A_137 {strides = array<i32>} : memref<1000x128xf32, #tpu.memory_space<vmem>>, vector<1000x128xf32>,
    return
  }
  func.func @transform_0(%arg0: i32) -> (i32, i32, i32) {
    %c0_i32 = arith.constant 0 : i32
    %c0_i32_0 = arith.constant 0 : i32
    %c0_i32_1 = arith.constant 0 : i32
    return %c0_i32, %arg0, %c0_i32_0 : i32, i32, i32
  }
  func.func @transform_1(%arg0: i32) -> (i32, i32) {
    %c0_i32 = arith.constant 0 : i32
    %c0_i32_0 = arith.constant 0 : i32
    return %arg0, %c0_i32 : i32, i32
  }
  func.func @transform_2(%arg0: i32) -> (i32, i32) {
    %c0_i32 = arith.constant 0 : i32
    %c0_i32_0 = arith.constant 0 : i32
    %c0_i32_1 = arith.constant 0 : i32
    return %c0_i32, %c0_i32_0 : i32, i32
  }
  func.func @transform_3(%arg0: i32) -> i32 {
    %c0_i32 = arith.constant 0 : i32
    %c0_i32_0 = arith.constant 0 : i32
    return %c0_i32 : i32
  }
  func.func @transform_4(%arg0: i32) -> i32 {
    %c0_i32 = arith.constant 0 : i32
    %c0_i32_0 = arith.constant 0 : i32
    return %c0_i32 : i32
  }
  func.func @transform_5(%arg0: i32) -> (i32, i32) {
    %c0_i32 = arith.constant 0 : i32
    %c0_i32_0 = arith.constant 0 : i32
    %c0_i32_1 = arith.constant 0 : i32
    return %c0_i32, %c0_i32_0 : i32, i32
  }
  func.func @transform_6(%arg0: i32) -> i32 {
    %c0_i32 = arith.constant 0 : i32
    %c0_i32_0 = arith.constant 0 : i32
    return %c0_i32 : i32
  }
  func.func @transform_7(%arg0: i32) -> (i32, i32) {
    %c0_i32 = arith.constant 0 : i32
    %c0_i32_0 = arith.constant 0 : i32
    %c0_i32_1 = arith.constant 0 : i32
    return %c0_i32, %c0_i32_0 : i32, i32
  }
  func.func @transform_8(%arg0: i32) -> i32 {
    %c0_i32 = arith.constant 0 : i32
    %c0_i32_0 = arith.constant 0 : i32
    return %c0_i32 : i32
  }
  func.func @transform_9(%arg0: i32) -> i32 {
    %c0_i32 = arith.constant 0 : i32
    %c0_i32_0 = arith.constant 0 : i32
    return %c0_i32 : i32
  }
  func.func @transform_10(%arg0: i32) -> i32 {
    %c0_i32 = arith.constant 0 : i32
    %c0_i32_0 = arith.constant 0 : i32
    return %c0_i32 : i32
  }
  func.func @transform_11(%arg0: i32) -> (i32, i32) {
    %c0_i32 = arith.constant 0 : i32
    %c0_i32_0 = arith.constant 0 : i32
    return %arg0, %c0_i32 : i32, i32
  }
}

</mosaic_0001>

<sc_bundles>
// kernel: kernel.5.cloned.1.call-start
scs
__scs_entry_jumppad:
0x0: {  	(pc) =	sbr.rel $0x88, $3  }
0x1: {  	(tag) =	ssettag $0x0;
	lr =	simm.s32 $0x1  }
0x2: {  	[smem:$0x3F93] =	sst lr;
	_ =	strace $0xD0000000  }
0x3: {  	_ = 	snop  }
0x4: {  	_ = 	snop  }
0x5: {  	_ = 	snop  }
0x6: {  	_ = 	snop  }
0x7: {  	_ = 	snop  }
__scs_overlays_trampoline_lowered:
0x8: {  	[smem:$0x3FA2] =	sst s0  }
0x9: {  	[smem:$0x3FA3] =	sst s1  }
0xa: {  	[smem:$0x3FA4] =	sst s2  }
0xb: {  	[smem:$0x3FA5] =	sst s3  }
0xc: {  	[smem:$0x3FA6] =	sst s4  }
0xd: {  	[smem:$0x3FA7] =	sst s5  }
0xe: {  	[smem:$0x3FA8] =	sst s6  }
0xf: {  	[smem:$0x3FA9] =	sst s7  }
0x10: {  	[smem:$0x3FAA] =	sst s8  }
0x11: {  	[smem:$0x3FAB] =	sst s9;
	s0 =	simm.s32 @!p0 $0x0  }
0x12: {  	s1 =	sld [smem:$0x3F91];
	s0 =	simm.s32 @p0 $0x1  }
0x13: {  	[smem:$0x3FAC] =	sst s0;
	s0 =	simm.s32 @!p1 $0x0  }
0x14: {  	s2 =	sld [smem:$0x3F90];
	s0 =	simm.s32 @p1 $0x1  }
0x15: {  	[smem:$0x3FAD] =	sst s0;
	s0 =	simm.s32 @!p2 $0x0  }
0x16: {  	s3 =	sld [smem:$0x3FDB];
	s0 =	simm.s32 @p2 $0x1  }
0x17: {  	s4 =	simm.s32 $0x1BF5;
	[smem:$0x3FAF] =	sst s0  }
0x18: {  	s0 =	sld [smem:$0x3F92];
	_ =	swait.ge [sflag:s4], $0x0  }
0x19: {  	s7 =	sld [smem:$0x3F93]  }
0x1a: {  	s8 =	sadd.s32 $0xFFFFE003, lr  }
0x1b: {  	s9 =	sadd.s32 $0xFFFFFEF7, lr;
	s5 =	simm.s32 $0xFFFFFFFF;
	p2 =	slt.u32 s8, $0xFFFFF086  }
0x1c: {  	p1 =	slt.u32 s9, $0xF7A;
	s5 =	simm.s32 @!p2 $0x0  }
0x1d: {  	s5 =	simm.s32 @p1 $0x1;
	p0 =	seq.s32 s7, s2  }
0x1e: {  	s7 =	smul.u32 @!p0 $0xF7A, s2;
	p2 =	seq.s32 @!p0 s5, $0x0  }
0x1f: {  	s9 =	smul.u32 $0xF7A, s1;
	s8 =	simm.s32 @!p0 $0x1BF5;
	p2 =	por !p2, p0  }
0x20: {  	[sflag:s8] =	ssyncset.s32 @!p0 $0xFFFFF086;
	s6 =	sadd.s32 @!p0 s3, s7;
	s7 =	simm.s32 @!p0 $0x108  }
0x21: {  	s3 =	sadd.s32 s3, s9;
	s6 =	sadd.s32 @!p0 $0x88, s6;
	s7 =	simm.s32 @p2 $0x1082  }
0x22: {  	[simem:s7], [sflag:s8] =	dma.local @!p0 [hbm:s6], $0xF7A  }
0x23: {  	s9 =	sor.u32 $0xD0000000, s2;
	s6 =	simm.s32 $0x108;
	_ =	swait.ge @!p0 [sflag:s8], $0x0  }
0x24: {  	s3 =	sadd.s32 $0x88, s3;
	s6 =	simm.s32 @!p1 $0x1082;
	[sflag:s4] =	ssyncset.s32 $0xFFFFF086  }
0x25: {  	[simem:s6], [sflag:s4] =	dma.local [hbm:s3], $0xF7A  }
0x26: {  	[smem:$0x3F93] =	sst s1;
	(tag) =	ssettag s2;
	_ =	strace s9  }
0x27: {  	s1 =	sld [smem:$0x3FA3]  }
0x28: {  	s2 =	sld [smem:$0x3FA4]  }
0x29: {  	s4 =	sld [smem:$0x3FA6]  }
0x2a: {  	p0 =	seq.s32 s5, $0x0;
	s5 =	sld [smem:$0x3FA7]  }
0x2b: {  	s6 =	sld [smem:$0x3FA8]  }
0x2c: {  	s7 =	sld [smem:$0x3FA9]  }
0x2d: {  	s3 =	simm.s32 $0x108;
	s8 =	sld [smem:$0x3FAA]  }
0x2e: {  	s3 =	simm.s32 @!p0 $0x1082;
	s9 =	sld [smem:$0x3FAB]  }
0x2f: {  	lr =	sadd.s32 s0, s3;
	s0 =	sld [smem:$0x3FA2]  }
0x30: {  	s3 =	sld [smem:$0x3FA5]  }
0x31: {  	[smem:$0x3FAE] =	sst s10  }
0x32: {  	s10 =	sld [smem:$0x3FAC];
	_ =	sdelay $0x3  }
0x33: {  	p0 =	seq.s32 s10, $0x1;
	s10 =	sld [smem:$0x3FAE];
	_ =	sdelay $0x3  }
0x34: {  	[smem:$0x3FAE] =	sst s10  }
0x35: {  	s10 =	sld [smem:$0x3FAD];
	_ =	sdelay $0x3  }
0x36: {  	p1 =	seq.s32 s10, $0x1;
	s10 =	sld [smem:$0x3FAE];
	_ =	sdelay $0x3  }
0x37: {  	[smem:$0x3FAE] =	sst s10  }
0x38: {  	s10 =	sld [smem:$0x3FAF]  }
0x39: {  	_ = 	snop;
	(pc) =	sbr.ind lr, $3  }
0x3a: {  	_ = 	snop  }
0x3b: {  	_ = 	snop  }
0x3c: {  	p2 =	seq.s32 s10, $0x1;
	s10 =	sld [smem:$0x3FAE]  }
0x3d: {  	_ =	shalt  }
0x3e: {  	_ =	shalt  }
0x3f: {  	_ =	shalt  }
0x40: {  	_ =	shalt  }
0x41: {  	_ =	shalt  }
0x42: {  	_ =	shalt  }
0x43: {  	_ =	shalt  }
0x44: {  	_ =	shalt  }
0x45: {  	_ =	shalt  }
0x46: {  	_ =	shalt  }
0x47: {  	_ =	shalt  }
0x48: {  	_ =	shalt  }
0x49: {  	_ =	shalt  }
0x4a: {  	_ =	shalt  }
0x4b: {  	_ =	shalt  }
0x4c: {  	_ =	shalt  }
0x4d: {  	_ =	shalt  }
0x4e: {  	_ =	shalt  }
0x4f: {  	_ =	shalt  }
0x50: {  	_ =	shalt  }
0x51: {  	_ =	shalt  }
0x52: {  	_ =	shalt  }
0x53: {  	_ =	shalt  }
0x54: {  	_ =	shalt  }
0x55: {  	_ =	shalt  }
0x56: {  	_ =	shalt  }
0x57: {  	_ =	shalt  }
0x58: {  	_ =	shalt  }
0x59: {  	_ =	shalt  }
0x5a: {  	_ =	shalt  }
0x5b: {  	_ =	shalt  }
0x5c: {  	_ =	shalt  }
0x5d: {  	_ =	shalt  }
0x5e: {  	_ =	shalt  }
0x5f: {  	_ =	shalt  }
0x60: {  	_ =	shalt  }
0x61: {  	_ =	shalt  }
0x62: {  	_ =	shalt  }
0x63: {  	_ =	shalt  }
0x64: {  	_ =	shalt  }
0x65: {  	_ =	shalt  }
0x66: {  	_ =	shalt  }
0x67: {  	_ =	shalt  }
0x68: {  	_ =	shalt  }
0x69: {  	_ =	shalt  }
0x6a: {  	_ =	shalt  }
0x6b: {  	_ =	shalt  }
0x6c: {  	_ =	shalt  }
0x6d: {  	_ =	shalt  }
0x6e: {  	_ =	shalt  }
0x6f: {  	_ =	shalt  }
0x70: {  	_ =	shalt  }
0x71: {  	_ =	shalt  }
0x72: {  	_ =	shalt  }
0x73: {  	_ =	shalt  }
0x74: {  	_ =	shalt  }
0x75: {  	_ =	shalt  }
0x76: {  	_ =	shalt  }
0x77: {  	_ =	shalt  }
0x78: {  	_ =	shalt  }
0x79: {  	_ =	shalt  }
0x7a: {  	_ =	shalt  }
0x7b: {  	_ =	shalt  }
0x7c: {  	_ =	shalt  }
0x7d: {  	_ =	shalt  }
0x7e: {  	_ =	shalt  }
0x7f: {  	_ =	shalt  }
0x80: {  	_ =	shalt  }
0x81: {  	_ =	shalt  }
0x82: {  	_ =	shalt  }
0x83: {  	_ =	shalt  }
0x84: {  	_ =	shalt  }
0x85: {  	_ =	shalt  }
0x86: {  	_ =	shalt  }
0x87: {  	_ =	shalt  }
.Lfunc_end0:
.L_simem_size_0:
called_computation_lowered:
.L_overlay_start_0:
0x88: {  	s2 =	sld [smem:$0x3FD9]  }
0x89: {  	s3 =	sld [smem:$0x3FFE];
	_ =	sdelay $0x1  }
0x8a: {  	s1 =	srdreg.scid  }
0x8b: {  	s0 =	sand.u32 $0x1, s1  }
0x8c: {  	s17 =	sshll.u32 s0, $0xA;
	s2 =	sadd.s32 s3, s2  }
0x8d: {  	s2 =	sadd.s32 s2, s17  }
0x8e: {  	[smem:$0x3FBA] =	sst s2  }
0x8f: {  	_ = 	snop  }
0x90: {  	s2 =	sld [smem:$0x3FD0];
	(tm) =	ssettm $0x1  }
0x91: {  	s18 =	sld [smem:$0x3FFB];
	_ =	sdelay $0x3  }
0x92: {  	_ =	strace s18  }
0x93: {  	s3 =	sld [smem:$0x3FFC];
	_ =	sdelay $0x3  }
0x94: {  	_ =	strace s3  }
0x95: {  	s3 =	sld [smem:$0x3FFD];
	_ =	sdelay $0x3  }
0x96: {  	_ =	strace s3  }
0x97: {  	_ =	strace $0x8FFFFFFF  }
0x98: {  	s19 =	sld [smem:$0x3FDB];
	_ =	sdelay $0x1  }
0x99: {  	s4 =	simm.s32 $_scs_section_size  }
0x9a: {  	s5 =	simm.s32 $_size__tile_overlayer_lowered;
	s6 =	simm.s32 $_tile_overlayer_lowered  }
0x9b: {  	s22 =	simm.s32 $0x1BFF;
	s21 =	sshll.u32 s6, $0x1;
	s3 =	sadd.s32 s4, s19  }
0x9c: {  	s7 =	simm.s32 $0x0;
	s20 =	sshll.u32 s5, $0x1;
	s5 =	sadd.s32 s21, s3  }
0x9d: {  	[timem:s7], [sflag:s22] =	dma.local [hbm:s5], s20  }
0x9e: {  	_ =	swait.ge [sflag:s22], s20  }
0x9f: {  	s4 =	ssub.s32 $0x0, s20;
	[sflag:s22] =	ssyncset.done $0x0  }
0xa0: {  	[sflag:s22] =	ssyncadd.s32 s4;
	_ =	sdelay $0x1  }
0xa1: {  	s23 =	simm.s32 $0x1B8B  }
0xa2: {  	_ =	swait.ge [sflag:s23], $0x1  }
0xa3: {  	[sflag:s23] =	ssyncset.done $0x0  }
0xa4: {  	s25 =	simm.s32 $0x1B8E;
	s24 =	sld [smem:$0x3FFE];
	[sflag:s23] =	ssyncadd.s32 $0xFFFFFFFF  }
0xa5: {  	s26 =	simm.s32 $execute0_lowered;
	[smem:$0x3FD2] =	sst s25  }
0xa6: {  	s5 =	sshll.u32 s26, $0x1;
	_ =	strace $0x80000046;
	[dreg:$0x1] =	wrdreg $0xFFFFFFFF  }
0xa7: {  	s28 =	simm.s32 $_size_execute0_lowered;
	s3 =	sadd.s32 s3, s5;
	[dreg:$0x0] =	wrdreg $0x0  }
0xa8: {  	s5 =	sshll.u32 s28, $0x1;
	[dreg:$0x2] =	wrdreg s3  }
0xa9: {  	[dreg:$0x3] =	wrdreg s5  }
0xaa: {  	[dreg:$0x4] =	wrdreg $0xC0  }
0xab: {  	_ =	task [dreg:s7], $0x5FFFF  }
0xac: {  	[dreg:$0x1] =	wrdreg $0xFFFFFFFF  }
0xad: {  	[dreg:$0x0] =	wrdreg $0x60  }
0xae: {  	[dreg:$0x2] =	wrdreg s24  }
0xaf: {  	[dreg:$0x3] =	wrdreg s2  }
0xb0: {  	[dreg:$0x4] =	wrdreg $0x144100  }
0xb1: {  	[dreg:$0x5] =	wrdreg $0x9  }
0xb2: {  	_ =	task.clear_ibuf [dreg:s7], $0x6FFFF;
	_ =	strace $0x90000046  }
0xb3: {  	s29 =	simm.s32 $0x9;
	_ =	strace $0x80000048  }
0xb4: {  	_ =	swait.ge [sflag:s29], $0x1  }
0xb5: {  	[sflag:s29] =	ssyncadd.s32 $0xFFFFFFFF  }
0xb6: {  	_ =	strace $0x90000048  }
0xb7: {  	_ =	sfence  }
0xb8: {  	s30 =	sld [smem:$0x0];
	_ =	sdelay $0x2  }
0xb9: {  	s31 =	sshll.u32 s1, $0xD;
	s1 =	sshrl.u32 s1, $0x2  }
0xba: {  	s3 =	sand.u32 $0x4000, s31;
	s1 =	sadd.s32 s1, s30  }
0xbb: {  	s0 =	sor.u32 s3, s0;
	s1 =	sshll.u32 s1, $0x11  }
0xbc: {  	s0 =	sor.u32 s1, s0  }
0xbd: {  	s0 =	sadd.s32 $0x8F2B, s0  }
0xbe: {  	[sflag:s0] =	ssyncadd.remote.s32 $0x1  }
0xbf: {  	_ =	sfence.sel $0xFFFF  }
0xc0: {  	[dreg:$0x0] =	wrdreg $0xFFFFFFFF;
	(pc) =	sbr.abs _section_cstart, $3  }
0xc1: {  	[dreg:$0x1] =	wrdreg $0xFFFFFFFF  }
0xc2: {  	_ =	task.clear_ibuf [dreg:s7], $0x2FFFF;
	_ =	strace $0x9FFFFFFF  }
0xc3: {  	(tm) =	ssettm $0x7FFFFFFF  }
tec
execute0_lowered:
.L_overlay_start_1:
0x0: {  	(tag) =	ssettag $0x1  }
0x1: {  	s0 =	rddreg [dreg:$0x0]  }
0x2: {  	s1 =	rddreg [dreg:$0x1]  }
0x3: {  	s2 =	rddreg [dreg:$0x2];
	s13 =	stileid.u32  }
0x4: {  	s5 =	srdreg.scid;
	s3 =	simm.s32 $0x0;
	s15 =	simm.s32 $0x7D  }
0x5: {  	v0 =	vimm.s32 $0xFEDCBA98;
	s18 =	simm.s32 $0xF208;
	s19 =	simm.s32 $0x101A8;
	s20 =	simm.s32 $0x1  }
0x6: {  	v1 =	vimm.s32 $0xBA98FEDC;
	v2 =	vimm.s32 $0x32107654;
	s21 =	simm.s32 $0x2;
	s22 =	simm.s32 $0xCEE0;
	s23 =	simm.s32 $0x3  }
0x7: {  	v3 =	vimm.s32 $0x76543210;
	v4 =	vimm.s32 $0xDCFE98BA;
	s24 =	simm.s32 $0x4;
	s28 =	simm.s32 $0x6;
	s4 =	smul.u32 $0xA00, s13  }
0x8: {  	v5 =	vimm.s32 $0xEFCDAB89;
	v6 =	vimm.s32 $0x67452301;
	vm0 =	vmmov $0xf;
	s29 =	simm.s32 $0x0;
	s6 =	sand.u32 $0x1, s5;
	s7 =	smul.u32 $0xB1C0, s13  }
0x9: {  	vm1 =	vmmov $0xff;
	[smem:$0x7FF] =	sst s3;
	s9 =	sadd.s32 $0x15E00, s0;
	v1 =	vunpack.c.l.s4.s8 v1;
	v2 =	vunpack.c.l.s4.s8 v2;
	s12 =	sadd.s32 $0x29A00, s0  }
0xa: {  	vm2 =	vmmov $0xfff;
	v0 =	vunpack.c.l.s4.s8 v0;
	v3 =	vunpack.c.l.s4.s8 v3;
	s13 =	sshll.u32 s13, $0x6;
	s5 =	smul.u32 $0xB1C00, s6;
	_ =	strace $0x80000047  }
0xb: {  	v9 =	vlaneseq.u32;
	s11 =	ssub.s32 $0x2, s6;
	p0 =	seq.s32 s6, $0x0;
	s8 =	sadd.s32 s4, s0;
	v1 =	vunpack.c.0.s8.s32 v1;
	v2 =	vunpack.c.0.s8.s32 v2  }
0xc: {  	v7 =	vimm.s32 $0xC;
	s4 =	sadd.s32 $0x1FC00, s0;
	v0 =	vunpack.c.0.s8.s32 v0;
	s25 =	sshrl.u32 s11, $0x1;
	s26 =	sshrl.u32 s7, $0x3;
	v3 =	vunpack.c.0.s8.s32 v3  }
0xd: {  	s14 =	sadd.s32 s7, s2;
	s5 =	sadd.s32 s7, s5;
	s11 =	ssub.s32 s11, s25;
	v1 =	vcombine.low v2, v1;
	v2 =	vunpack.c.l.s4.s8 v4;
	v4 =	vimm.s32 $0x54761032  }
0xe: {  	v8 =	vand.u32 $0x3, v9;
	s1 =	sadd.s32 s1, s26;
	s7 =	sor.u32 $0x1C07, s13;
	s30 =	sadd.s32 $0xBE00, s8;
	v0 =	vand.u32 $0xF, v0;
	v4 =	vunpack.c.l.s4.s8 v4  }
0xf: {  	s31 =	sadd.s32 $0x1E00, s8;
	s4 =	smov.u32 @p0 s9;
	s13 =	simm.s32 $0x7;
	v0 =	vcombine.low v0, v3;
	v3 =	vunpack.c.l.s4.s8 v5;
	v5 =	vunpack.c.l.s4.s8 v6  }
0x10: {  	v9 =	vor.u32 $0x40, v9;
	s25 =	simm.s32 $0x120E8;
	s26 =	simm.s32 $0x5;
	[dreg:$0x4] =	wrdreg s1;
	v2 =	vunpack.c.0.s8.s32 v2;
	v4 =	vunpack.c.0.s8.s32 v4  }
0x11: {  	v8 =	vmul.u32 $0x4, v8;
	s10 =	sshrl.u32 s5, $0x3;
	s5 =	sadd.s32 $0x3D400, s0;
	[dreg:$0x5] =	wrdreg s30;
	v3 =	vunpack.c.0.s8.s32 v3;
	v5 =	vunpack.c.0.s8.s32 v5  }
0x12: {  	[dreg:$0x6] =	wrdreg s31;
	s11 =	smax.u32 s11, $0x1;
	s0 =	sadd.s32 s10, s0;
	v6 =	vimm.s32 $0x8;
	v1 =	vand.u32 $0xF, v1;
	v2 =	vcombine.low v4, v2  }
0x13: {  	s5 =	smov.u32 @p0 s12;
	s12 =	sshrl.u32 s14, $0x3;
	s10 =	sadd.s32 $0x50E00, s0;
	v3 =	vcombine.low v5, v3;
	v4 =	vimm.s32 $0x0;
	v5 =	vimm.s32 $0x4  }
.LBB2_1:
0x14: {  	s0 =	rddreg [dreg:$0x4]  }
0x15: {  	[spmem:s12], [sflag:s7] =	dma.local [hbm:s0], $0x1638  }
0x16: {  	_ =	swait.ge [sflag:s13], $0x1638  }
0x17: {  	[sflag:s13] =	ssyncset.done $0x0  }
0x18: {  	s14 =	rddreg [dreg:$0x5];
	[sflag:s13] =	ssyncadd.s32 $0xFFFFE9C8  }
0x19: {  	[tilespmem:s3], [sflag:$0x7] =	stream.linear.gather [hbm4b:s14+s3], $0x5000, $0x38;
	[tilespmem:$0x1F5D0] =	vst v63  }
0x1a: {  	_ =	swait.ge [sflag:s13], $0x5000  }
0x1b: {  	[sflag:s13] =	ssyncset.done $0x0  }
0x1c: {  	s1 =	simm.s32 $0x5000;
	s16 =	rddreg [dreg:$0x6];
	[sflag:s13] =	ssyncadd.s32 $0xFFFFB000  }
0x1d: {  	[tilespmem:s1], [sflag:$0x7] =	stream.linear.gather [hbm4b:s16+s3], $0x5000, $0x38;
	[tilespmem:$0x1F5D0] =	vst v63  }
0x1e: {  	_ =	swait.ge [sflag:s13], $0x5000  }
0x1f: {  	[sflag:s13] =	ssyncset.done $0x0  }
0x20: {  	[sflag:s13] =	ssyncadd.s32 $0xFFFFB000  }
0x21: {  	s17 =	simm.s32 $0xA000;
	[bflag:$0x0] =	sbarrier.arrive $0xFFFF  }
0x22: {  	[tilespmem:s17], [sflag:$0x1] =	stream.indirect.gather [hbm4b:s4+s15], $0x20, s1, s15, $0xb8;
	[tilespmem:$0x1F5D0] =	vst v63  }
0x23: {  	s31 =	simm.s32 $0xAFA0;
	s30 =	simm.s32 $0x0  }
0x24: {  	[tilespmem:s31], [sflag:$0x2] =	stream.indirect.gather [hbm4b:s5+s15], $0x40, s3, s15, $0xb8;
	[tilespmem:$0x1F5D0] =	vst v63  }
.LBB2_2:
0x25: {  	s0 =	sshllo.u32 s30, $0x1  }
0x26: {  	s31 =	sshll.u32 s0, $0x7  }
0x27: {  	p0 =	seq.s32 s30, $0x0;
	s0 =	sadd.s32 $0x5000, s31  }
0x28: {  	[tilespmem:s18], [sflag:$0x3] =	stream.indirect.gather [hbm4b:s4+s15], $0x20, s0, s15, $0xb8;
	[tilespmem:$0x1F5D0] =	vst v63  }
0x29: {  	s0 =	simm.s32 @!p0 $0x5  }
0x2a: {  	[tilespmem:s19], [sflag:$0x4] =	stream.indirect.gather [hbm4b:s5+s15], $0x40, s31, s15, $0xb8;
	[tilespmem:$0x1F5D0] =	vst v63  }
0x2b: {  	_ =	swait.ge @!p0 [sflag:s0], $0x2328  }
0x2c: {  	[sflag:s0] =	ssyncset.done @!p0 $0x0  }
0x2d: {  	[sflag:s0] =	ssyncadd.s32 @!p0 $0xFFFFDCD8  }
0x2e: {  	_ =	swait.ge [sflag:s20], $0xFA0  }
0x2f: {  	[sflag:s20] =	ssyncset.done $0x0  }
0x30: {  	[sflag:s20] =	ssyncadd.s32 $0xFFFFF060  }
0x31: {  	_ =	swait.ge [sflag:s21], $0x1F40  }
0x32: {  	[sflag:s21] =	ssyncset.done $0x0  }
0x33: {  	s8 =	simm.s32 $0xA010;
	[sflag:s21] =	ssyncadd.s32 $0xFFFFE0C0  }
0x34: {  	s1 =	simm.s32 $0xAFC0;
	v10 =	vld [tilespmem:s8+$0x0]  }
0x35: {  	v11 =	vld [tilespmem:s1+$0xFFFFFFF0]  }
0x36: {  	v12 =	vld [tilespmem:s8+$0xFFFFFFF0]  }
0x37: {  	v13 =	vld [tilespmem:s1+$0xFFFFFFE0];
	_ =	sdelay $0x2  }
0x38: {  	v14 =	vunpack.i.u.bf16.f32 v10  }
0x39: {  	v10 =	vunpack.i.l.bf16.f32 v10;
	v15 =	vunpack.i.u.bf16.f32 v11;
	v16 =	vunpack.i.u.bf16.f32 v12  }
0x3a: {  	v12 =	vunpack.i.l.bf16.f32 v12;
	v17 =	vunpack.i.l.bf16.f32 v13;
	v13 =	vunpack.i.u.bf16.f32 v13  }
0x3b: {  	v11 =	vunpack.i.l.bf16.f32 v11;
	v12 =	vmul.f32 v17, v12;
	v13 =	vmul.f32 v13, v16  }
0x3c: {  	v14 =	vmul.f32 v15, v14;
	v10 =	vmul.f32 v11, v10  }
0x3d: {  	v11 =	vperm.xlane v12, v0;
	v15 =	vperm.xlane v13, v0  }
0x3e: {  	v16 =	vperm.xlane v10, v0  }
0x3f: {  	v17 =	vperm.xlane v14, v0;
	v11 =	vadd.f32 v11, v12;
	v12 =	vadd.f32 v15, v13  }
0x40: {  	v10 =	vadd.f32 v16, v10  }
0x41: {  	v14 =	vadd.f32 v17, v14;
	v13 =	vperm.xlane v11, v1;
	v15 =	vperm.xlane v12, v1  }
0x42: {  	v16 =	vperm.xlane v10, v1  }
0x43: {  	v11 =	vadd.f32 v13, v11;
	v12 =	vadd.f32 v15, v12;
	v13 =	vperm.xlane v14, v1  }
0x44: {  	s9 =	simm.s32 $0xA030;
	v10 =	vadd.f32 v16, v10  }
0x45: {  	s16 =	simm.s32 $0xB000;
	v15 =	vld [tilespmem:s9+$0x0];
	v13 =	vadd.f32 v13, v14;
	v11 =	vsel vm0, v11, v12  }
0x46: {  	v12 =	vld [tilespmem:s16+$0xFFFFFFF0];
	v10 =	vsel vm1, v11, v10  }
0x47: {  	v11 =	vld [tilespmem:s9+$0xFFFFFFF0];
	v10 =	vsel vm2, v10, v13  }
0x48: {  	v13 =	vld [tilespmem:s16+$0xFFFFFFE0];
	v14 =	vperm.xlane v10, v2;
	_ =	sdelay $0x1  }
0x49: {  	v10 =	vadd.f32 v10, v14;
	v14 =	vunpack.i.u.bf16.f32 v15  }
0x4a: {  	v15 =	vunpack.i.l.bf16.f32 v15;
	v16 =	vunpack.i.u.bf16.f32 v12;
	v12 =	vunpack.i.l.bf16.f32 v12  }
0x4b: {  	v18 =	vunpack.i.u.bf16.f32 v11;
	v11 =	vunpack.i.l.bf16.f32 v11;
	v12 =	vmul.f32 v12, v15  }
0x4c: {  	v17 =	vperm.xlane v10, v3;
	v19 =	vunpack.i.l.bf16.f32 v13;
	v13 =	vunpack.i.u.bf16.f32 v13  }
0x4d: {  	v11 =	vmul.f32 v19, v11;
	v13 =	vmul.f32 v13, v18  }
0x4e: {  	v14 =	vmul.f32 v16, v14;
	v18 =	vperm.xlane v12, v0;
	v10 =	vadd.f32 v10, v17  }
0x4f: {  	v15 =	vperm.xlane v11, v0;
	v16 =	vperm.xlane v13, v0  }
0x50: {  	v17 =	vperm.xlane v14, v0;
	v12 =	vadd.f32 v18, v12;
	v10 =	vmul.f32 $2.500000000e-01, v10  }
0x51: {  	s6 =	simm.s32 $0x0;
	s0 =	simm.s32 $0xB040;
	v11 =	vadd.f32 v15, v11;
	v13 =	vadd.f32 v16, v13  }
0x52: {  	s8 =	simm.s32 $0xA050;
	v18 =	vld [tilespmem:s0+$0xFFFFFFF0];
	v14 =	vadd.f32 v17, v14;
	v16 =	vmov s6;
	v10 =	vmax.f32 v10, $-5.000000000e+00  }
0x53: {  	v15 =	vld [tilespmem:s8+$0x0];
	v10 =	vmin.f32 v10, $5.000000000e+00;
	v19 =	vperm.xlane v11, v1;
	v20 =	vperm.xlane v13, v1  }
0x54: {  	v17 =	vld [tilespmem:s8+$0xFFFFFFF0];
	v21 =	vperm.xlane v12, v1;
	v16 =	vmul.u32 $0x48, v16;
	v10 =	vmul.f32 $1.442695020e+00, v10  }
0x55: {  	v11 =	vadd.f32 v19, v11;
	v13 =	vadd.f32 v20, v13;
	v19 =	vperm.xlane v14, v1  }
0x56: {  	v12 =	vadd.f32 v21, v12;
	(erf) = vpow2.f32 v10;
	v10 =	vld [tilespmem:s0+$0xFFFFFFE0]  }
0x57: {  	v16 =	vbroadcast v16, $0x0;
	v14 =	vadd.f32 v19, v14;
	v11 =	vsel vm0, v11, v13  }
0x58: {  	v13 =	vunpack.i.u.bf16.f32 v15;
	v15 =	vunpack.i.l.bf16.f32 v15;
	v11 =	vsel vm1, v11, v12  }
0x59: {  	v21 =	vld [tilespmem:s1+$0x0];
	v19 =	vunpack.i.u.bf16.f32 v17;
	v12 =	vunpack.i.u.bf16.f32 v18;
	v11 =	vsel vm2, v11, v14  }
0x5a: {  	v18 =	vunpack.i.l.bf16.f32 v18;
	v12 =	vmul.f32 v12, v13;
	v20 =	vperm.xlane v11, v2  }
0x5b: {  	v14 =	vunpack.i.l.bf16.f32 v17;
	v13 =	vmul.f32 v18, v15;
	v17 =	vunpack.i.l.bf16.f32 v10  }
0x5c: {  	v10 =	vunpack.i.u.bf16.f32 v10;
	v18 =	vperm.xlane v12, v0;
	v11 =	vadd.f32 v11, v20  }
0x5d: {  	v27 =	vadd.s32 v9, v16;
	v14 =	vmul.f32 v17, v14;
	v10 =	vmul.f32 v10, v19;
	v17 =	vld [tilespmem:s1+$0x10]  }
0x5e: {  	v24 =	vunpack.i.l.bf16.f32 v21;
	v12 =	vadd.f32 v18, v12;
	v20 =	vperm.xlane v11, v3  }
0x5f: {  	v21 =	vunpack.i.u.bf16.f32 v21;
	v15 =	vperm.xlane v14, v0;
	v23 =	vperm.xlane v10, v0;
	v19 =	vpop (erf)  }
0x60: {  	v16 =	vperm.xlane v12, v1;
	v22 =	vperm.xlane v19, v4;
	v11 =	vadd.f32 v11, v20  }
0x61: {  	v25 =	vperm.xlane v19, v5;
	v14 =	vadd.f32 v15, v14;
	v15 =	vperm.xlane v13, v0  }
0x62: {  	v10 =	vadd.f32 v23, v10;
	v26 =	vunpack.i.l.bf16.f32 v17;
	v11 =	vmul.f32 $2.500000000e-01, v11  }
0x63: {  	v17 =	vunpack.i.u.bf16.f32 v17;
	v20 =	vmul.f32 v22, v24;
	v22 =	vperm.xlane v19, v6  }
0x64: {  	s17 =	simm.s32 $0xA070;
	v24 =	vperm.xlane v19, v7;
	v21 =	vmul.f32 v25, v21;
	v11 =	vmax.f32 v11, $-5.000000000e+00  }
0x65: {  	s8 =	simm.s32 $0xB080;
	v18 =	vld [tilespmem:s17+$0xFFFFFFF0];
	v25 =	vperm.xlane v14, v1;
	v22 =	vmul.f32 v22, v26;
	v11 =	vmin.f32 v11, $5.000000000e+00  }
0x66: {  	v23 =	vld [tilespmem:s8+$0xFFFFFFF0];
	v13 =	vadd.f32 v15, v13;
	v24 =	vmul.f32 v24, v17;
	v11 =	vmul.f32 $1.442695020e+00, v11  }
0x67: {  	v17 =	vperm.xlane v19, v8;
	v19 =	vld [tilespmem:s17+$0x0];
	v26 =	vperm.xlane v10, v1  }
0x68: {  	v14 =	vadd.f32 v25, v14;
	v25 =	vld [tilespmem:s8+$0xFFFFFFE0];
	(erf) = vpow2.f32 v11;
	v11 =	vperm.xlane v13, v1  }
0x69: {  	s14 =	simm.s32 $0x1;
	v10 =	vadd.f32 v26, v10  }
0x6a: {  	v12 =	vadd.f32 v16, v12;
	v15 =	vmov s14;
	v11 =	vadd.f32 v11, v13  }
0x6b: {  	v15 =	vmul.u32 $0x48, v15;
	v26 =	vnsel vm0, $0x0, v17;
	v10 =	vsel vm0, v14, v10  }
0x6c: {  	v17 =	vunpack.i.u.bf16.f32 v23;
	v14 =	vunpack.i.l.bf16.f32 v19;
	v10 =	vsel vm1, v10, v11  }
0x6d: {  	s1 =	simm.s32 $0xCF00;
	v11 =	vunpack.i.l.bf16.f32 v18;
	v10 =	vsel vm2, v10, v12;
	v12 =	vunpack.i.l.bf16.f32 v25  }
0x6e: {  	v28 =	vld [tilespmem:s16+$0x0];
	[tilespmem:s1+$0xFFFFFFE0] =	vst v20;
	v20 =	vunpack.i.u.bf16.f32 v25;
	v16 =	vmul.f32 v12, v11;
	v12 =	vperm.xlane v10, v2  }
0x6f: {  	v13 =	vbroadcast v15, $0x0;
	v15 =	vunpack.i.u.bf16.f32 v19;
	v18 =	vunpack.i.u.bf16.f32 v18  }
0x70: {  	v19 =	vunpack.i.l.bf16.f32 v23;
	v11 =	vmul.f32 v17, v15;
	v17 =	vmul.f32 v20, v18  }
0x71: {  	[tilespmem:s1+$0xFFFFFFF0] =	vst v21;
	v15 =	vmul.f32 v19, v14;
	v19 =	vadd.f32 v10, v12;
	v10 =	vadd.s32 v9, v13;
	v13 =	vld [tilespmem:s16+$0x10]  }
0x72: {  	[tilespmem:s1+$0x0] =	vst v22;
	v20 =	vperm.xlane v16, v0;
	v14 =	vperm.xlane v11, v0;
	v12 =	vpop (erf)  }
0x73: {  	s9 =	simm.s32 $0x2;
	[tilespmem:s1+$0x10] =	vst v24;
	v23 =	vunpack.i.l.bf16.f32 v28;
	v24 =	vperm.xlane v19, v3;
	v21 =	vperm.xlane v12, v4  }
0x74: {  	s6 =	simm.s32 $0x3;
	s14 =	simm.s32 $0x4;
	[tilespmem:v27+s22+$0x0] =	vst.idx.msk $0xff, v26;
	v18 =	vunpack.i.u.bf16.f32 v28;
	v25 =	vperm.xlane v17, v0;
	s16 =	simm.s32 $0xB080;
	v22 =	vperm.xlane v12, v5  }
.LBB2_3:
0x75: {  	p0 =	sne.s32 s14, $0x7C;
	v19 =	vadd.f32 v19, v24;
	v21 =	vmul.f32 v21, v23;
	v23 =	vperm.xlane v12, v6  }
0x76: {  	s1 =	sadd.s32 $0x48, s1;
	v24 =	vunpack.i.l.bf16.f32 v13;
	v18 =	vmul.f32 v22, v18;
	v22 =	vperm.xlane v12, v7  }
0x77: {  	v13 =	vunpack.i.u.bf16.f32 v13;
	v19 =	vmul.f32 $2.500000000e-01, v19;
	[tilespmem:s1+$0xFFFFFFE0] =	vst v21;
	v21 =	vmul.f32 v23, v24  }
0x78: {  	v12 =	vperm.xlane v12, v8;
	[tilespmem:s1+$0xFFFFFFF0] =	vst v18;
	v13 =	vmul.f32 v22, v13  }
0x79: {  	v16 =	vadd.f32 v20, v16;
	v18 =	vperm.xlane v15, v0;
	v19 =	vmax.f32 v19, $-5.000000000e+00;
	[tilespmem:s1+$0x0] =	vst v21  }
0x7a: {  	s17 =	sadd.s32 $0x20, s17;
	v17 =	vadd.f32 v25, v17;
	v12 =	vnsel vm0, $0x0, v12;
	v19 =	vmin.f32 v19, $5.000000000e+00;
	[tilespmem:s1+$0x10] =	vst v13  }
0x7b: {  	s8 =	sadd.s32 $0x40, s8;
	v15 =	vadd.f32 v18, v15;
	v13 =	vld [tilespmem:s17+$0x0];
	v18 =	vmul.f32 $1.442695020e+00, v19;
	v19 =	vmov s9;
	[tilespmem:v10+s22+$0x0] =	vst.idx.msk $0xff, v12;
	s9 =	smov.u32 s6;
	s6 =	smov.u32 s14  }
0x7c: {  	v11 =	vadd.f32 v14, v11;
	v20 =	vperm.xlane v17, v1;
	v12 =	vperm.xlane v16, v1;
	v10 =	vld [tilespmem:s8+$0xFFFFFFF0]  }
0x7d: {  	v21 =	vperm.xlane v15, v1;
	v19 =	vmul.u32 $0x48, v19;
	v14 =	vld [tilespmem:s17+$0xFFFFFFF0];
	(erf) = vpow2.f32 v18  }
0x7e: {  	v12 =	vadd.f32 v12, v16;
	v16 =	vadd.f32 v20, v17;
	v17 =	vperm.xlane v11, v1;
	v18 =	vld [tilespmem:s8+$0xFFFFFFE0]  }
0x7f: {  	v15 =	vadd.f32 v21, v15;
	v21 =	vbroadcast v19, $0x0  }
0x80: {  	v11 =	vadd.f32 v17, v11;
	v12 =	vsel vm0, v12, v16;
	v19 =	vunpack.i.u.bf16.f32 v13  }
0x81: {  	v13 =	vunpack.i.l.bf16.f32 v13;
	v12 =	vsel vm1, v12, v15;
	v17 =	vunpack.i.u.bf16.f32 v10  }
0x82: {  	v10 =	vunpack.i.l.bf16.f32 v10;
	v12 =	vsel vm2, v12, v11;
	v15 =	vunpack.i.u.bf16.f32 v14;
	v22 =	vld [tilespmem:s0+$0x0]  }
0x83: {  	v11 =	vunpack.i.l.bf16.f32 v14;
	v20 =	vperm.xlane v12, v2;
	v14 =	vunpack.i.l.bf16.f32 v18  }
.Ltmp0:
0x84: {  	v18 =	vunpack.i.u.bf16.f32 v18;
	v16 =	vmul.f32 v14, v11;
	v11 =	vmul.f32 v17, v19;
	(pc) =	sbr.rel @p0 .LBB2_3-.Ltmp0, $4  }
0x85: {  	v17 =	vmul.f32 v18, v15;
	v15 =	vmul.f32 v10, v13;
	v19 =	vadd.f32 v12, v20;
	v13 =	vld [tilespmem:s0+$0x10];
	s0 =	smov.u32 s16;
	s16 =	smov.u32 s8  }
0x86: {  	v10 =	vadd.s32 v9, v21;
	v20 =	vperm.xlane v16, v0;
	v14 =	vperm.xlane v11, v0;
	v12 =	vpop (erf)  }
0x87: {  	v24 =	vperm.xlane v19, v3;
	v18 =	vunpack.i.u.bf16.f32 v22;
	v21 =	vperm.xlane v12, v4  }
0x88: {  	s14 =	sadd.s32 $0x1, s14;
	v25 =	vperm.xlane v17, v0;
	v23 =	vunpack.i.l.bf16.f32 v22;
	v22 =	vperm.xlane v12, v5  }
0x89: {  	v26 =	vperm.xlane v15, v0  }
0x8a: {  	v16 =	vadd.f32 v20, v16;
	v17 =	vadd.f32 v25, v17  }
0x8b: {  	v15 =	vadd.f32 v26, v15  }
0x8c: {  	v11 =	vadd.f32 v14, v11;
	v20 =	vperm.xlane v16, v1;
	v25 =	vperm.xlane v17, v1  }
0x8d: {  	v14 =	vperm.xlane v15, v1  }
0x8e: {  	v16 =	vadd.f32 v20, v16;
	v20 =	vperm.xlane v11, v1;
	v17 =	vadd.f32 v25, v17  }
0x8f: {  	v14 =	vadd.f32 v14, v15  }
0x90: {  	v11 =	vadd.f32 v20, v11;
	v15 =	vsel vm0, v16, v17  }
0x91: {  	v14 =	vsel vm1, v15, v14  }
0x92: {  	v11 =	vsel vm2, v14, v11;
	v14 =	vadd.f32 v19, v24  }
0x93: {  	v15 =	vperm.xlane v11, v2  }
0x94: {  	v14 =	vmul.f32 $2.500000000e-01, v14  }
0x95: {  	v11 =	vadd.f32 v11, v15  }
0x96: {  	v14 =	vmax.f32 v14, $-5.000000000e+00  }
0x97: {  	v15 =	vperm.xlane v11, v3;
	v14 =	vmin.f32 v14, $5.000000000e+00  }
0x98: {  	v14 =	vmul.f32 $1.442695020e+00, v14  }
0x99: {  	v11 =	vadd.f32 v11, v15  }
0x9a: {  	(erf) = vpow2.f32 v14  }
0x9b: {  	v11 =	vmul.f32 $2.500000000e-01, v11;
	_ =	sdelay $0x1  }
0x9c: {  	v11 =	vmax.f32 v11, $-5.000000000e+00  }
0x9d: {  	v11 =	vmin.f32 v11, $5.000000000e+00  }
0x9e: {  	v11 =	vmul.f32 $1.442695020e+00, v11  }
0x9f: {  	v16 =	vld [tilespmem:s0+$0x0];
	v15 =	vmov s9  }
0xa0: {  	v17 =	vmul.f32 v22, v18;
	v15 =	vmul.u32 $0x48, v15;
	(erf) = vpow2.f32 v11  }
0xa1: {  	v14 =	vmul.f32 v21, v23;
	v11 =	vperm.xlane v12, v6  }
0xa2: {  	s1 =	sadd.s32 $0x48, s1;
	v18 =	vunpack.i.l.bf16.f32 v13;
	v19 =	vperm.xlane v12, v7;
	v15 =	vbroadcast v15, $0x0;
	v20 =	vpop (erf)  }
0xa3: {  	v13 =	vunpack.i.u.bf16.f32 v13;
	[tilespmem:s1+$0xFFFFFFE0] =	vst v14;
	v11 =	vmul.f32 v11, v18;
	v18 =	vld [tilespmem:s0+$0x10];
	v14 =	vperm.xlane v20, v4  }
0xa4: {  	[tilespmem:s1+$0xFFFFFFF0] =	vst v17;
	v13 =	vmul.f32 v19, v13;
	v17 =	vunpack.i.l.bf16.f32 v16;
	v12 =	vperm.xlane v12, v8  }
0xa5: {  	v15 =	vadd.s32 v9, v15;
	v19 =	vperm.xlane v20, v5;
	v14 =	vmul.f32 v14, v17  }
0xa6: {  	v12 =	vnsel vm0, $0x0, v12;
	[tilespmem:s1+$0x0] =	vst v11;
	v11 =	vunpack.i.u.bf16.f32 v16;
	v16 =	vmov s6;
	v17 =	vld [tilespmem:s16+$0x0]  }
0xa7: {  	[tilespmem:s1+$0x10] =	vst v13;
	v13 =	vperm.xlane v20, v6;
	v11 =	vmul.f32 v19, v11;
	v16 =	vmul.u32 $0x48, v16  }
0xa8: {  	s8 =	sadd.s32 $0x48, s1;
	[tilespmem:v10+s22+$0x0] =	vst.idx.msk $0xff, v12;
	v12 =	vperm.xlane v20, v7;
	v19 =	vperm.xlane v20, v8;
	v20 =	vld [tilespmem:s16+$0x10];
	v10 =	vunpack.i.l.bf16.f32 v18  }
0xa9: {  	v18 =	vunpack.i.u.bf16.f32 v18;
	[tilespmem:s8+$0xFFFFFFE0] =	vst v14;
	v10 =	vmul.f32 v13, v10;
	v13 =	vbroadcast v16, $0x0;
	v14 =	vpop (erf)  }
0xaa: {  	[tilespmem:s8+$0xFFFFFFF0] =	vst v11;
	v11 =	vmul.f32 v12, v18;
	v12 =	vnsel vm0, $0x0, v19;
	v16 =	vperm.xlane v14, v4  }
0xab: {  	[tilespmem:s8+$0x0] =	vst v10;
	v10 =	vadd.s32 v9, v13;
	v13 =	vunpack.i.l.bf16.f32 v17;
	v18 =	vperm.xlane v14, v5  }
0xac: {  	[tilespmem:s8+$0x10] =	vst v11;
	v11 =	vunpack.i.u.bf16.f32 v17;
	v13 =	vmul.f32 v16, v13;
	v16 =	vperm.xlane v14, v6  }
0xad: {  	s0 =	sadd.s32 $0x48, s8;
	[tilespmem:v15+s22+$0x0] =	vst.idx.msk $0xff, v12;
	v12 =	vunpack.i.l.bf16.f32 v20;
	v15 =	vperm.xlane v14, v7;
	v11 =	vmul.f32 v18, v11  }
0xae: {  	v17 =	vunpack.i.u.bf16.f32 v20;
	[tilespmem:s0+$0xFFFFFFE0] =	vst v13;
	v12 =	vmul.f32 v16, v12  }
0xaf: {  	[tilespmem:s0+$0xFFFFFFF0] =	vst v11;
	v11 =	vmul.f32 v15, v17;
	v13 =	vperm.xlane v14, v8  }
0xb0: {  	s9 =	sshll.u32 s30, $0x8;
	[tilespmem:s0+$0x0] =	vst v12  }
0xb1: {  	s14 =	sand.u32 $0x3FFFFF00, s9;
	[tilespmem:s0+$0x10] =	vst v11;
	v11 =	vnsel vm0, $0x0, v13  }
0xb2: {  	p0 =	seq.s32 s30, $0x4F;
	s0 =	sadd.s32 $0x5000, s14;
	[tilespmem:v10+s22+$0x0] =	vst.idx.msk $0xff, v11  }
0xb3: {  	[spmem:s2] =	stream.indirect.scatter.add.f32 [tilespmem:s22], [sflag:$0x5], $0x48, s0, s15, $0xb8;
	[tilespmem:$0x1F5D0] =	vst v63  }
0xb4: {  	s0 =	sshll.u32 @!p0 s30, $0x8  }
0xb5: {  	s6 =	simm.s32 @!p0 $0x7D;
	s8 =	simm.s32 @!p0 $0xA000;
	s1 =	sadd.s32 @!p0 $0x5100, s0  }
0xb6: {  	[tilespmem:s8], [sflag:$0x1] =	stream.indirect.gather @!p0 [hbm4b:s4+s6], $0x20, s1, s6, $0xb8;
	[tilespmem:$0x1F5D0] =	vst v63  }
0xb7: {  	p1 =	seq.s32 @!p0 s30, $0x0;
	s0 =	sadd.s32 @!p0 $0x100, s0;
	s1 =	simm.s32 @!p0 $0xAFA0  }
0xb8: {  	[tilespmem:s1], [sflag:$0x2] =	stream.indirect.gather @!p0 [hbm4b:s5+s6], $0x40, s0, s6, $0xb8;
	[tilespmem:$0x1F5D0] =	vst v63  }
0xb9: {  	p0 =	por p0, !p1  }
0xba: {  	_ =	swait.ge @p0 [sflag:s28], $0x2328  }
0xbb: {  	[sflag:s28] =	ssyncset.done @p0 $0x0  }
0xbc: {  	[sflag:s28] =	ssyncadd.s32 @p0 $0xFFFFDCD8  }
0xbd: {  	_ =	swait.ge [sflag:s23], $0xFA0  }
0xbe: {  	[sflag:s23] =	ssyncset.done $0x0  }
0xbf: {  	[sflag:s23] =	ssyncadd.s32 $0xFFFFF060  }
0xc0: {  	_ =	swait.ge [sflag:s24], $0x1F40  }
0xc1: {  	[sflag:s24] =	ssyncset.done $0x0  }
0xc2: {  	s16 =	simm.s32 $0xF218;
	[sflag:s24] =	ssyncadd.s32 $0xFFFFE0C0  }
0xc3: {  	s17 =	simm.s32 $0x101C8;
	v10 =	vld [tilespmem:s16+$0x0]  }
0xc4: {  	v11 =	vld [tilespmem:s17+$0xFFFFFFF0]  }
0xc5: {  	v12 =	vld [tilespmem:s16+$0xFFFFFFF0]  }
0xc6: {  	v13 =	vld [tilespmem:s17+$0xFFFFFFE0];
	_ =	sdelay $0x2  }
0xc7: {  	v14 =	vunpack.i.u.bf16.f32 v10  }
0xc8: {  	v10 =	vunpack.i.l.bf16.f32 v10;
	v15 =	vunpack.i.u.bf16.f32 v11;
	v16 =	vunpack.i.u.bf16.f32 v12  }
0xc9: {  	v12 =	vunpack.i.l.bf16.f32 v12;
	v17 =	vunpack.i.l.bf16.f32 v13;
	v13 =	vunpack.i.u.bf16.f32 v13  }
0xca: {  	v11 =	vunpack.i.l.bf16.f32 v11;
	v12 =	vmul.f32 v17, v12;
	v13 =	vmul.f32 v13, v16  }
0xcb: {  	v14 =	vmul.f32 v15, v14;
	v10 =	vmul.f32 v11, v10  }
0xcc: {  	v11 =	vperm.xlane v12, v0;
	v15 =	vperm.xlane v13, v0  }
0xcd: {  	v16 =	vperm.xlane v10, v0  }
0xce: {  	v17 =	vperm.xlane v14, v0;
	v11 =	vadd.f32 v11, v12;
	v12 =	vadd.f32 v15, v13  }
0xcf: {  	v10 =	vadd.f32 v16, v10  }
0xd0: {  	v14 =	vadd.f32 v17, v14;
	v13 =	vperm.xlane v11, v1;
	v15 =	vperm.xlane v12, v1  }
0xd1: {  	v16 =	vperm.xlane v10, v1  }
0xd2: {  	v11 =	vadd.f32 v13, v11;
	v12 =	vadd.f32 v15, v12;
	v13 =	vperm.xlane v14, v1  }
0xd3: {  	s6 =	simm.s32 $0xF238;
	v10 =	vadd.f32 v16, v10  }
0xd4: {  	s16 =	simm.s32 $0x10208;
	v15 =	vld [tilespmem:s6+$0x0];
	v13 =	vadd.f32 v13, v14;
	v11 =	vsel vm0, v11, v12  }
0xd5: {  	v12 =	vld [tilespmem:s16+$0xFFFFFFF0];
	v10 =	vsel vm1, v11, v10  }
0xd6: {  	v11 =	vld [tilespmem:s6+$0xFFFFFFF0];
	v10 =	vsel vm2, v10, v13  }
0xd7: {  	v13 =	vld [tilespmem:s16+$0xFFFFFFE0];
	v14 =	vperm.xlane v10, v2;
	_ =	sdelay $0x1  }
0xd8: {  	v10 =	vadd.f32 v10, v14;
	v14 =	vunpack.i.u.bf16.f32 v15  }
0xd9: {  	v15 =	vunpack.i.l.bf16.f32 v15;
	v16 =	vunpack.i.u.bf16.f32 v12;
	v12 =	vunpack.i.l.bf16.f32 v12  }
0xda: {  	v18 =	vunpack.i.u.bf16.f32 v11;
	v11 =	vunpack.i.l.bf16.f32 v11;
	v12 =	vmul.f32 v12, v15  }
0xdb: {  	v17 =	vperm.xlane v10, v3;
	v19 =	vunpack.i.l.bf16.f32 v13;
	v13 =	vunpack.i.u.bf16.f32 v13  }
0xdc: {  	v11 =	vmul.f32 v19, v11;
	v13 =	vmul.f32 v13, v18  }
0xdd: {  	v14 =	vmul.f32 v16, v14;
	v18 =	vperm.xlane v12, v0;
	v10 =	vadd.f32 v10, v17  }
0xde: {  	v15 =	vperm.xlane v11, v0;
	v16 =	vperm.xlane v13, v0  }
0xdf: {  	v17 =	vperm.xlane v14, v0;
	v12 =	vadd.f32 v18, v12;
	v10 =	vmul.f32 $2.500000000e-01, v10  }
0xe0: {  	s8 =	simm.s32 $0x0;
	s0 =	simm.s32 $0x10248;
	v11 =	vadd.f32 v15, v11;
	v13 =	vadd.f32 v16, v13  }
0xe1: {  	s9 =	simm.s32 $0xF258;
	v18 =	vld [tilespmem:s0+$0xFFFFFFF0];
	v14 =	vadd.f32 v17, v14;
	v16 =	vmov s8;
	v10 =	vmax.f32 v10, $-5.000000000e+00  }
0xe2: {  	v15 =	vld [tilespmem:s9+$0x0];
	v10 =	vmin.f32 v10, $5.000000000e+00;
	v19 =	vperm.xlane v11, v1;
	v20 =	vperm.xlane v13, v1  }
0xe3: {  	v17 =	vld [tilespmem:s9+$0xFFFFFFF0];
	v21 =	vperm.xlane v12, v1;
	v16 =	vmul.u32 $0x48, v16;
	v10 =	vmul.f32 $1.442695020e+00, v10  }
0xe4: {  	v11 =	vadd.f32 v19, v11;
	v13 =	vadd.f32 v20, v13;
	v19 =	vperm.xlane v14, v1  }
0xe5: {  	v12 =	vadd.f32 v21, v12;
	(erf) = vpow2.f32 v10;
	v10 =	vld [tilespmem:s0+$0xFFFFFFE0]  }
0xe6: {  	v16 =	vbroadcast v16, $0x0;
	v14 =	vadd.f32 v19, v14;
	v11 =	vsel vm0, v11, v13  }
0xe7: {  	v13 =	vunpack.i.u.bf16.f32 v15;
	v15 =	vunpack.i.l.bf16.f32 v15;
	v11 =	vsel vm1, v11, v12  }
0xe8: {  	v21 =	vld [tilespmem:s17+$0x0];
	v19 =	vunpack.i.u.bf16.f32 v17;
	v12 =	vunpack.i.u.bf16.f32 v18;
	v11 =	vsel vm2, v11, v14  }
0xe9: {  	v18 =	vunpack.i.l.bf16.f32 v18;
	v12 =	vmul.f32 v12, v13;
	v20 =	vperm.xlane v11, v2  }
0xea: {  	v14 =	vunpack.i.l.bf16.f32 v17;
	v13 =	vmul.f32 v18, v15;
	v17 =	vunpack.i.l.bf16.f32 v10  }
0xeb: {  	v10 =	vunpack.i.u.bf16.f32 v10;
	v18 =	vperm.xlane v12, v0;
	v11 =	vadd.f32 v11, v20  }
0xec: {  	v27 =	vadd.s32 v9, v16;
	v14 =	vmul.f32 v17, v14;
	v10 =	vmul.f32 v10, v19;
	v17 =	vld [tilespmem:s17+$0x10]  }
0xed: {  	v24 =	vunpack.i.l.bf16.f32 v21;
	v12 =	vadd.f32 v18, v12;
	v20 =	vperm.xlane v11, v3  }
0xee: {  	v21 =	vunpack.i.u.bf16.f32 v21;
	v15 =	vperm.xlane v14, v0;
	v23 =	vperm.xlane v10, v0;
	v19 =	vpop (erf)  }
0xef: {  	v16 =	vperm.xlane v12, v1;
	v22 =	vperm.xlane v19, v4;
	v11 =	vadd.f32 v11, v20  }
0xf0: {  	v25 =	vperm.xlane v19, v5;
	v14 =	vadd.f32 v15, v14;
	v15 =	vperm.xlane v13, v0  }
0xf1: {  	v10 =	vadd.f32 v23, v10;
	v26 =	vunpack.i.l.bf16.f32 v17;
	v11 =	vmul.f32 $2.500000000e-01, v11  }
0xf2: {  	v17 =	vunpack.i.u.bf16.f32 v17;
	v20 =	vmul.f32 v22, v24;
	v22 =	vperm.xlane v19, v6  }
0xf3: {  	s17 =	simm.s32 $0xF278;
	v24 =	vperm.xlane v19, v7;
	v21 =	vmul.f32 v25, v21;
	v11 =	vmax.f32 v11, $-5.000000000e+00  }
0xf4: {  	s8 =	simm.s32 $0x10288;
	v18 =	vld [tilespmem:s17+$0xFFFFFFF0];
	v25 =	vperm.xlane v14, v1;
	v22 =	vmul.f32 v22, v26;
	v11 =	vmin.f32 v11, $5.000000000e+00  }
0xf5: {  	v23 =	vld [tilespmem:s8+$0xFFFFFFF0];
	v13 =	vadd.f32 v15, v13;
	v24 =	vmul.f32 v24, v17;
	v11 =	vmul.f32 $1.442695020e+00, v11  }
0xf6: {  	v17 =	vperm.xlane v19, v8;
	v19 =	vld [tilespmem:s17+$0x0];
	v26 =	vperm.xlane v10, v1  }
0xf7: {  	v14 =	vadd.f32 v25, v14;
	v25 =	vld [tilespmem:s8+$0xFFFFFFE0];
	(erf) = vpow2.f32 v11;
	v11 =	vperm.xlane v13, v1  }
0xf8: {  	s14 =	simm.s32 $0x1;
	v10 =	vadd.f32 v26, v10  }
0xf9: {  	v12 =	vadd.f32 v16, v12;
	v15 =	vmov s14;
	v11 =	vadd.f32 v11, v13  }
0xfa: {  	v15 =	vmul.u32 $0x48, v15;
	v26 =	vnsel vm0, $0x0, v17;
	v10 =	vsel vm0, v14, v10  }
0xfb: {  	v17 =	vunpack.i.u.bf16.f32 v23;
	v14 =	vunpack.i.l.bf16.f32 v19;
	v10 =	vsel vm1, v10, v11  }
0xfc: {  	s1 =	simm.s32 $0x12108;
	v11 =	vunpack.i.l.bf16.f32 v18;
	v10 =	vsel vm2, v10, v12;
	v12 =	vunpack.i.l.bf16.f32 v25  }
0xfd: {  	v28 =	vld [tilespmem:s16+$0x0];
	[tilespmem:s1+$0xFFFFFFE0] =	vst v20;
	v20 =	vunpack.i.u.bf16.f32 v25;
	v16 =	vmul.f32 v12, v11;
	v12 =	vperm.xlane v10, v2  }
0xfe: {  	v13 =	vbroadcast v15, $0x0;
	v15 =	vunpack.i.u.bf16.f32 v19;
	v18 =	vunpack.i.u.bf16.f32 v18  }
0xff: {  	v19 =	vunpack.i.l.bf16.f32 v23;
	v11 =	vmul.f32 v17, v15;
	v17 =	vmul.f32 v20, v18  }
0x100: {  	[tilespmem:s1+$0xFFFFFFF0] =	vst v21;
	v15 =	vmul.f32 v19, v14;
	v19 =	vadd.f32 v10, v12;
	v10 =	vadd.s32 v9, v13;
	v13 =	vld [tilespmem:s16+$0x10]  }
0x101: {  	[tilespmem:s1+$0x0] =	vst v22;
	v20 =	vperm.xlane v16, v0;
	v14 =	vperm.xlane v11, v0;
	v12 =	vpop (erf)  }
0x102: {  	s6 =	simm.s32 $0x3;
	[tilespmem:s1+$0x10] =	vst v24;
	v23 =	vunpack.i.l.bf16.f32 v28;
	v24 =	vperm.xlane v19, v3;
	v21 =	vperm.xlane v12, v4  }
0x103: {  	s9 =	simm.s32 $0x2;
	s14 =	simm.s32 $0x4;
	[tilespmem:v27+s25+$0x0] =	vst.idx.msk $0xff, v26;
	v18 =	vunpack.i.u.bf16.f32 v28;
	v25 =	vperm.xlane v17, v0;
	s16 =	simm.s32 $0x10288;
	v22 =	vperm.xlane v12, v5  }
.LBB2_5:
0x104: {  	p0 =	sne.s32 s14, $0x7C;
	v19 =	vadd.f32 v19, v24;
	v21 =	vmul.f32 v21, v23;
	v23 =	vperm.xlane v12, v6  }
0x105: {  	s1 =	sadd.s32 $0x48, s1;
	v24 =	vunpack.i.l.bf16.f32 v13;
	v18 =	vmul.f32 v22, v18;
	v22 =	vperm.xlane v12, v7  }
0x106: {  	v13 =	vunpack.i.u.bf16.f32 v13;
	v19 =	vmul.f32 $2.500000000e-01, v19;
	[tilespmem:s1+$0xFFFFFFE0] =	vst v21;
	v21 =	vmul.f32 v23, v24  }
0x107: {  	v12 =	vperm.xlane v12, v8;
	[tilespmem:s1+$0xFFFFFFF0] =	vst v18;
	v13 =	vmul.f32 v22, v13  }
0x108: {  	v16 =	vadd.f32 v20, v16;
	v18 =	vperm.xlane v15, v0;
	v19 =	vmax.f32 v19, $-5.000000000e+00;
	[tilespmem:s1+$0x0] =	vst v21  }
0x109: {  	s17 =	sadd.s32 $0x20, s17;
	v17 =	vadd.f32 v25, v17;
	v12 =	vnsel vm0, $0x0, v12;
	v19 =	vmin.f32 v19, $5.000000000e+00;
	[tilespmem:s1+$0x10] =	vst v13  }
0x10a: {  	s8 =	sadd.s32 $0x40, s8;
	v15 =	vadd.f32 v18, v15;
	v13 =	vld [tilespmem:s17+$0x0];
	v18 =	vmul.f32 $1.442695020e+00, v19;
	v19 =	vmov s9;
	[tilespmem:v10+s25+$0x0] =	vst.idx.msk $0xff, v12;
	s9 =	smov.u32 s6;
	s6 =	smov.u32 s14  }
0x10b: {  	v11 =	vadd.f32 v14, v11;
	v20 =	vperm.xlane v17, v1;
	v12 =	vperm.xlane v16, v1;
	v10 =	vld [tilespmem:s8+$0xFFFFFFF0]  }
0x10c: {  	v21 =	vperm.xlane v15, v1;
	v19 =	vmul.u32 $0x48, v19;
	v14 =	vld [tilespmem:s17+$0xFFFFFFF0];
	(erf) = vpow2.f32 v18  }
0x10d: {  	v12 =	vadd.f32 v12, v16;
	v16 =	vadd.f32 v20, v17;
	v17 =	vperm.xlane v11, v1;
	v18 =	vld [tilespmem:s8+$0xFFFFFFE0]  }
0x10e: {  	v15 =	vadd.f32 v21, v15;
	v21 =	vbroadcast v19, $0x0  }
0x10f: {  	v11 =	vadd.f32 v17, v11;
	v12 =	vsel vm0, v12, v16;
	v19 =	vunpack.i.u.bf16.f32 v13  }
0x110: {  	v13 =	vunpack.i.l.bf16.f32 v13;
	v12 =	vsel vm1, v12, v15;
	v17 =	vunpack.i.u.bf16.f32 v10  }
0x111: {  	v10 =	vunpack.i.l.bf16.f32 v10;
	v12 =	vsel vm2, v12, v11;
	v15 =	vunpack.i.u.bf16.f32 v14;
	v22 =	vld [tilespmem:s0+$0x0]  }
0x112: {  	v11 =	vunpack.i.l.bf16.f32 v14;
	v20 =	vperm.xlane v12, v2;
	v14 =	vunpack.i.l.bf16.f32 v18  }
.Ltmp1:
0x113: {  	v18 =	vunpack.i.u.bf16.f32 v18;
	v16 =	vmul.f32 v14, v11;
	v11 =	vmul.f32 v17, v19;
	(pc) =	sbr.rel @p0 .LBB2_5-.Ltmp1, $4  }
0x114: {  	v17 =	vmul.f32 v18, v15;
	v15 =	vmul.f32 v10, v13;
	v19 =	vadd.f32 v12, v20;
	v13 =	vld [tilespmem:s0+$0x10];
	s0 =	smov.u32 s16;
	s16 =	smov.u32 s8  }
0x115: {  	v10 =	vadd.s32 v9, v21;
	v20 =	vperm.xlane v16, v0;
	v14 =	vperm.xlane v11, v0;
	v12 =	vpop (erf)  }
0x116: {  	v24 =	vperm.xlane v19, v3;
	v18 =	vunpack.i.u.bf16.f32 v22;
	v21 =	vperm.xlane v12, v4  }
0x117: {  	s14 =	sadd.s32 $0x1, s14;
	v25 =	vperm.xlane v17, v0;
	v23 =	vunpack.i.l.bf16.f32 v22;
	v22 =	vperm.xlane v12, v5  }
0x118: {  	v26 =	vperm.xlane v15, v0  }
0x119: {  	v16 =	vadd.f32 v20, v16;
	v17 =	vadd.f32 v25, v17  }
0x11a: {  	v15 =	vadd.f32 v26, v15  }
0x11b: {  	v11 =	vadd.f32 v14, v11;
	v20 =	vperm.xlane v16, v1;
	v25 =	vperm.xlane v17, v1  }
0x11c: {  	v29 =	vperm.xlane v15, v1  }
0x11d: {  	v30 =	vperm.xlane v11, v1;
	v16 =	vadd.f32 v20, v16;
	v17 =	vadd.f32 v25, v17  }
0x11e: {  	v14 =	vadd.f32 v29, v15  }
0x11f: {  	v11 =	vadd.f32 v30, v11;
	v31 =	vsel vm0, v16, v17  }
0x120: {  	v14 =	vsel vm1, v31, v14  }
0x121: {  	v11 =	vsel vm2, v14, v11  }
0x122: {  	v33 =	vperm.xlane v11, v2  }
0x123: {  	v32 =	vadd.f32 v19, v24  }
0x124: {  	v11 =	vadd.f32 v11, v33  }
0x125: {  	v14 =	vmul.f32 $2.500000000e-01, v32  }
0x126: {  	v15 =	vperm.xlane v11, v3  }
0x127: {  	v14 =	vmax.f32 v14, $-5.000000000e+00  }
0x128: {  	v14 =	vmin.f32 v14, $5.000000000e+00;
	v11 =	vadd.f32 v11, v15  }
0x129: {  	v14 =	vmul.f32 $1.442695020e+00, v14  }
0x12a: {  	v11 =	vmul.f32 $2.500000000e-01, v11  }
0x12b: {  	(erf) = vpow2.f32 v14  }
0x12c: {  	v11 =	vmax.f32 v11, $-5.000000000e+00  }
0x12d: {  	v11 =	vmin.f32 v11, $5.000000000e+00  }
0x12e: {  	v11 =	vmul.f32 $1.442695020e+00, v11  }
0x12f: {  	v34 =	vmul.f32 v21, v23  }
0x130: {  	v35 =	vmov s9;
	v36 =	vld [tilespmem:s0+$0x0];
	v39 =	vperm.xlane v12, v7;
	(erf) = vpow2.f32 v11  }
0x131: {  	v40 =	vperm.xlane v12, v8;
	v47 =	vmov s6;
	v37 =	vmul.f32 v22, v18  }
0x132: {  	v42 =	vunpack.i.u.bf16.f32 v13;
	v16 =	vmul.u32 $0x48, v47;
	v15 =	vmul.u32 $0x48, v35  }
0x133: {  	s1 =	sadd.s32 $0x48, s1;
	v43 =	vld [tilespmem:s0+$0x10];
	v38 =	vunpack.i.l.bf16.f32 v13;
	v13 =	vmul.f32 v39, v42;
	v11 =	vperm.xlane v12, v6  }
0x134: {  	[tilespmem:s1+$0xFFFFFFE0] =	vst v34;
	v53 =	vbroadcast v16, $0x0;
	v15 =	vbroadcast v15, $0x0;
	v41 =	vpop (erf)  }
0x135: {  	v48 =	vld [tilespmem:s16+$0x0];
	[tilespmem:s1+$0xFFFFFFF0] =	vst v37;
	v45 =	vunpack.i.l.bf16.f32 v36;
	v44 =	vperm.xlane v41, v4;
	v11 =	vmul.f32 v11, v38  }
0x136: {  	[tilespmem:s1+$0x10] =	vst v13;
	v15 =	vadd.s32 v9, v15;
	v12 =	vnsel vm0, $0x0, v40;
	v46 =	vperm.xlane v41, v5  }
0x137: {  	v49 =	vperm.xlane v41, v6;
	v14 =	vmul.f32 v44, v45;
	[tilespmem:s1+$0x0] =	vst v11;
	v11 =	vunpack.i.u.bf16.f32 v36  }
0x138: {  	v52 =	vld [tilespmem:s16+$0x10];
	s17 =	sadd.s32 $0x48, s1;
	v50 =	vperm.xlane v41, v7;
	v11 =	vmul.f32 v46, v11;
	[tilespmem:v10+s25+$0x0] =	vst.idx.msk $0xff, v12;
	v10 =	vunpack.i.l.bf16.f32 v43  }
0x139: {  	v18 =	vunpack.i.u.bf16.f32 v43;
	v51 =	vperm.xlane v41, v8;
	[tilespmem:s17+$0xFFFFFFE0] =	vst v14;
	v10 =	vmul.f32 v49, v10;
	v54 =	vpop (erf)  }
0x13a: {  	v57 =	vunpack.i.l.bf16.f32 v48;
	[tilespmem:s17+$0xFFFFFFF0] =	vst v11;
	v11 =	vmul.f32 v50, v18;
	v56 =	vperm.xlane v54, v4  }
0x13b: {  	v55 =	vnsel vm0, $0x0, v51;
	[tilespmem:s17+$0x0] =	vst v10;
	v10 =	vadd.s32 v9, v53;
	v58 =	vperm.xlane v54, v5  }
0x13c: {  	[tilespmem:s17+$0x10] =	vst v11;
	v11 =	vunpack.i.u.bf16.f32 v48;
	v59 =	vperm.xlane v54, v6;
	v13 =	vmul.f32 v56, v57  }
0x13d: {  	s30 =	sadd.s32 $0x1, s30;
	s0 =	sadd.s32 $0x48, s17;
	v60 =	vunpack.i.l.bf16.f32 v52;
	[tilespmem:v15+s25+$0x0] =	vst.idx.msk $0xff, v55;
	v61 =	vperm.xlane v54, v7;
	v11 =	vmul.f32 v58, v11  }
0x13e: {  	p0 =	sne.s32 s30, $0x50;
	v62 =	vunpack.i.u.bf16.f32 v52;
	v12 =	vmul.f32 v59, v60;
	[tilespmem:s0+$0xFFFFFFE0] =	vst v13  }
.Ltmp2:
0x13f: {  	v63 =	vperm.xlane v54, v8;
	[tilespmem:s0+$0xFFFFFFF0] =	vst v11;
	v11 =	vmul.f32 v61, v62;
	(pc) =	sbr.rel @p0 .LBB2_2-.Ltmp2, $4  }
0x140: {  	[tilespmem:s0+$0x0] =	vst v12  }
0x141: {  	s31 =	sand.u32 $0x3FFFFF80, s31;
	[tilespmem:s0+$0x10] =	vst v11;
	v11 =	vnsel vm0, $0x0, v63  }
0x142: {  	s0 =	sadd.s32 $0x5000, s31;
	[tilespmem:v10+s25+$0x0] =	vst.idx.msk $0xff, v11  }
0x143: {  	[spmem:s2] =	stream.indirect.scatter.add.f32 [tilespmem:s25], [sflag:$0x6], $0x48, s0, s15, $0xb8;
	[tilespmem:$0x1F5D0] =	vst v63  }
0x144: {  	_ =	swait.ge [sflag:s26], $0x2328  }
0x145: {  	[sflag:s26] =	ssyncset.done $0x0  }
0x146: {  	[sflag:s26] =	ssyncadd.s32 $0xFFFFDCD8  }
0x147: {  	_ =	swait.ge [sflag:s28], $0x2328  }
0x148: {  	s29 =	sadd.s32 $0x1, s29;
	[sflag:s28] =	ssyncset.done $0x0  }
0x149: {  	p0 =	sne.s32 s29, s11;
	[sflag:s28] =	ssyncadd.s32 $0xFFFFDCD8  }
.Ltmp3:
0x14a: {  	[bflag:$0x0] =	sbarrier.arrive $0xFFFF;
	(pc) =	sbr.rel @p0 .LBB2_1-.Ltmp3, $4  }
0x14b: {  	[hbm:s10], [sflag:s7] =	dma.local [spmem:s12], $0x1638  }
0x14c: {  	_ =	swait.ge [sflag:s13], $0x1638  }
0x14d: {  	[sflag:s13] =	ssyncset.done $0x0  }
0x14e: {  	[sflag:s13] =	ssyncadd.s32 $0xFFFFE9C8  }
0x14f: {  	_ =	sfence.sel $0x180000  }
0x150: {  	[bflag:$0x0] =	sbarrier.arrive $0xFFFF  }
0x151: {  	_ =	strace $0x90000047  }
0x152: {  	s0 =	stileid.u32;
	[bflag:$0x2] =	sbarrier.arrive $0xFFFF  }
0x153: {  	p0 =	sne.s32 s0, $0x0;
	s0 =	rddreg [dreg:$0x3]  }
0x154: {  	s0 =	sadd.s32 @!p0 $0x100000, s0  }
0x155: {  	[sflag:s0] =	ssyncadd.tile.s32 @!p0 $0x1;
	_ =	shalt  }
.Lfunc_end2:
_tile_overlayer_lowered:
.L_overlay_start_2:
0x156: {  	(tag) =	ssettag $0x2  }
0x157: {  	s0 =	rddreg [dreg:$0x0];
	s2 =	stileid.u32  }
0x158: {  	s1 =	rddreg [dreg:$0x1];
	p0 =	sne.s32 s2, $0x0  }
0x159: {  	s3 =	rddreg [dreg:$0x2];
	[bflag:$0x3] =	sbarrier.arrive $0xFFFF;
	s2 =	simm.s32 @!p0 $0x1C07  }
0x15a: {  	[timem:s3], [sflag:s2] =	dma.local @!p0 [hbm:s0], s1  }
0x15b: {  	s0 =	simm.s32 @!p0 $0x7  }
0x15c: {  	_ =	swait.ge @!p0 [sflag:s0], s1  }
0x15d: {  	s1 =	ssub.s32 @!p0 $0x0, s1;
	[sflag:s0] =	ssyncset.done @!p0 $0x0  }
0x15e: {  	[sflag:s0] =	ssyncadd.s32 @!p0 s1  }
0x15f: {  	[bflag:$0x3] =	sbarrier.arrive $0xFFFF  }
0x160: {  	_ =	shalt  }

</sc_bundles>
